<compile_context>
chip_gen: v7x
topology: tpu7x:2x2x1
jax: 0.10.2.dev20260603
libtpu: 0.0.44.dev20260713+nightly
codegen_flags: <defaults>
</compile_context>

<pallas_src>
import functools

import jax
import jax.numpy as jnp
from jax import lax
from jax.experimental import pallas as pl
from jax.experimental.pallas import tpu as pltpu, tpu_sc as plsc

N = 10000
NE = 320000
NC = 2
NS = 16
NW = NC * NS
CH = 128
NCHUNK = 79
EPT = NE // NW
EPT_PAD = NCHUNK * CH
N_PAD = 10240
ZR = N_PAD // NS
BR = 5000



def _make_sc_scatter(D, with_gather):
    mesh = plsc.VectorSubcoreMesh(core_axis_name="c", subcore_axis_name="s")
    scratch = [
        pltpu.VMEM((EPT_PAD,), jnp.int32),
        pltpu.VMEM((EPT_PAD,), jnp.int32),
        pltpu.VMEM((CH, D), jnp.float32),
        pltpu.VMEM_SHARED((N_PAD, D), jnp.float32),
        pltpu.VMEM_SHARED((N, D) if with_gather else (1, D), jnp.float32),
        pltpu.SemaphoreType.DMA,
    ]

    @functools.partial(
        pl.kernel, mesh=mesh,
        out_type=jax.ShapeDtypeStruct((NC * N_PAD, D), jnp.float32),
        scratch_types=scratch,
        compiler_params=pltpu.CompilerParams(use_tc_tiling_on_sc=False),
    )
    def scat(edge_hbm, g_hbm, z_hbm, out_hbm, src_v, dst_v, rows_v,
             acc, g_sh, sem):
        cid = lax.axis_index("c")
        sid = lax.axis_index("s")
        wid = sid * NC + cid
        base = wid * EPT
        pltpu.sync_copy(edge_hbm.at[1, pl.ds(base, EPT)],
                        dst_v.at[pl.ds(0, EPT)])
        padn = jnp.full((16,), N, jnp.int32)
        for k in range((EPT_PAD - EPT) // 16):
            dst_v[pl.ds(EPT + k * 16, 16)] = padn
        if with_gather:
            pltpu.sync_copy(edge_hbm.at[0, pl.ds(base, EPT)],
                            src_v.at[pl.ds(0, EPT)])
            zero16 = jnp.zeros((16,), jnp.int32)
            for k in range((EPT_PAD - EPT) // 16):
                src_v[pl.ds(EPT + k * 16, 16)] = zero16
            @pl.when(sid < 10)
            def _():
                pltpu.sync_copy(g_hbm.at[pl.ds(sid * 1000, 1000)],
                                g_sh.at[pl.ds(sid * 1000, 1000)])
        else:
            pltpu.sync_copy(g_hbm, rows_v)
        pltpu.sync_copy(z_hbm.at[pl.ds(sid * ZR, ZR)],
                        acc.at[pl.ds(sid * ZR, ZR)])
        plsc.subcore_barrier()

        if with_gather:
            def body(j, carry):
                pltpu.async_copy(g_sh.at[src_v.at[pl.ds(j * CH, CH)]],
                                 rows_v, sem).wait()
                pltpu.sync_copy(rows_v, acc.at[dst_v.at[pl.ds(j * CH, CH)]],
                                add=True)
                return carry
        else:
            def body(j, carry):
                pltpu.sync_copy(rows_v, acc.at[dst_v.at[pl.ds(j * CH, CH)]],
                                add=True)
                return carry

        lax.fori_loop(0, NCHUNK, body, 0)

        plsc.subcore_barrier()
        pltpu.sync_copy(acc.at[pl.ds(sid * ZR, ZR)],
                        out_hbm.at[pl.ds(cid * N_PAD + sid * ZR, ZR)])

    return scat


_sc_deg = _make_sc_scatter(16, with_gather=False)
_sc_scat64 = _make_sc_scatter(64, with_gather=True)
_sc_scat48 = _make_sc_scatter(48, with_gather=True)



def _full(shape):
    return pl.BlockSpec(shape, lambda i: (0,) * len(shape))


def _rows(d):
    return pl.BlockSpec((BR, d), lambda i: (i, 0))


def _part(d, c):
    return pl.BlockSpec((1, BR, d), lambda i, c=c: (c, i, 0))


def _inv_of(p0, p1):
    return lax.rsqrt(p0[0][:, :1] + p1[0][:, :1] + 1.0)


def _tc1_body(x_r, w1_r, b1_r, w2_r, b2_r, wg1_r, o_r):
    h = jnp.maximum(jnp.dot(x_r[...], w1_r[...],
                            preferred_element_type=jnp.float32) + b1_r[...], 0.0)
    h = jnp.maximum(jnp.dot(h, w2_r[...],
                            preferred_element_type=jnp.float32) + b2_r[...], 0.0)
    o_r[...] = jnp.dot(h, wg1_r[...], preferred_element_type=jnp.float32)


def _tc2_body(p0_r, p1_r, g_r, o_r):
    o_r[...] = g_r[...] * _inv_of(p0_r, p1_r)


def _tc3_body(p0_r, p1_r, s0_r, s1_r, g_r, b1_r, w2_r, o_r):
    inv = _inv_of(p0_r, p1_r)
    out1 = jnp.maximum((s0_r[0] + s1_r[0] + g_r[...]) * inv + b1_r[...], 0.0)
    o_r[...] = jnp.dot(out1, w2_r[...],
                       preferred_element_type=jnp.float32) * inv


def _tc4_body(p0_r, p1_r, s0_r, s1_r, g_r, b2_r, o_r):
    inv = _inv_of(p0_r, p1_r)
    z = ((s0_r[0] + s1_r[0] + g_r[...]) * inv)[:, :40] + b2_r[...]
    m = jnp.max(z, axis=1, keepdims=True)
    e = jnp.exp(z - m)
    o_r[...] = (z - m) - jnp.log(jnp.sum(e, axis=1, keepdims=True))



def kernel(x, edge_index, W_fse1, b_fse1, W_fse2, b_fse2, W_gc1, b_gc1,
           W_gc2, b_gc2):
    f32 = jnp.float32
    ei = edge_index.astype(jnp.int32)

    grid = N // BR

    ones16 = jnp.ones((CH, 16), f32)
    z16 = jnp.zeros((N_PAD, 16), f32)
    degp = _sc_deg(ei, ones16, z16).reshape(NC, N_PAD, 16)

    g1_raw = pl.pallas_call(
        _tc1_body,
        grid=(grid,),
        in_specs=[_rows(128), _full((128, 16)), _full((1, 16)),
                  _full((16, 16)), _full((1, 16)), _full((16, 64))],
        out_specs=_rows(64),
        out_shape=jax.ShapeDtypeStruct((N, 64), f32),
    )(x, W_fse1, b_fse1.reshape(1, 16), W_fse2, b_fse2.reshape(1, 16),
      W_gc1)

    g1 = pl.pallas_call(
        _tc2_body,
        grid=(grid,),
        in_specs=[_part(16, 0), _part(16, 1), _rows(64)],
        out_specs=_rows(64),
        out_shape=jax.ShapeDtypeStruct((N, 64), f32),
    )(degp, degp, g1_raw)

    z64 = jnp.zeros((N_PAD, 64), f32)
    s1 = _sc_scat64(ei, g1, z64).reshape(NC, N_PAD, 64)

    w2p = jnp.pad(W_gc2, ((0, 0), (0, 8)))
    g2 = pl.pallas_call(
        _tc3_body,
        grid=(grid,),
        in_specs=[_part(16, 0), _part(16, 1), _part(64, 0), _part(64, 1),
                  _rows(64), _full((1, 64)), _full((64, 48))],
        out_specs=_rows(48),
        out_shape=jax.ShapeDtypeStruct((N, 48), f32),
    )(degp, degp, s1, s1, g1, b_gc1.reshape(1, 64), w2p)

    z48 = jnp.zeros((N_PAD, 48), f32)
    s2 = _sc_scat48(ei, g2, z48).reshape(NC, N_PAD, 48)

    out = pl.pallas_call(
        _tc4_body,
        grid=(grid,),
        in_specs=[_part(16, 0), _part(16, 1), _part(48, 0), _part(48, 1),
                  _rows(48), _full((1, 40))],
        out_specs=_rows(40),
        out_shape=jax.ShapeDtypeStruct((N, 40), f32),
    )(degp, degp, s2, s2, g2, b_gc2.reshape(1, 40))

    return out

# --- scband reference (transcript-rebuilt; emitter-appended) ---
"""Pipeline reference for scband-gcnfse-50697793962627 (READ-ONLY COPY).

The authoritative reference and input builder live on the scoring server;
editing this copy changes nothing except your own understanding.
"""

import jax, jax.numpy as jnp
import numpy as np

N_NODES = 10000
N_EDGES = 320000
NFEAT = 128
N_EMB1 = 16
N_EMB2 = 16
NHID = 64
NCLASS = 40


def setup_inputs(seed: int = 0) -> dict:
    key = jax.random.key(seed)
    ks = jax.random.split(key, 12)
    x = jax.random.normal(ks[0], (N_NODES, NFEAT), dtype=jnp.float32)
    edge_index = jax.random.randint(ks[1], (2, N_EDGES), 0, N_NODES, dtype=jnp.int64)
    def glorot(k, shape):
        lim = float(np.sqrt(6.0 / (shape[0] + shape[1])))
        return jax.random.uniform(k, shape, dtype=jnp.float32, minval=-lim, maxval=lim)
    W_fse1 = glorot(ks[2], (NFEAT, N_EMB1))
    b_fse1 = jnp.zeros((N_EMB1,), dtype=jnp.float32)
    W_fse2 = glorot(ks[3], (N_EMB1, N_EMB2))
    b_fse2 = jnp.zeros((N_EMB2,), dtype=jnp.float32)
    W_gc1 = glorot(ks[4], (N_EMB2, NHID))
    b_gc1 = jnp.zeros((NHID,), dtype=jnp.float32)
    W_gc2 = glorot(ks[5], (NHID, NCLASS))
    b_gc2 = jnp.zeros((NCLASS,), dtype=jnp.float32)
    return {
        'x': x, 'edge_index': edge_index,
        'W_fse1': W_fse1, 'b_fse1': b_fse1,
        'W_fse2': W_fse2, 'b_fse2': b_fse2,
        'W_gc1': W_gc1, 'b_gc1': b_gc1,
        'W_gc2': W_gc2, 'b_gc2': b_gc2,
    }


def _gcn_conv(h, edge_index, W, b):
    # GCN layer with symmetric normalization and self-loops (PyG GCNConv semantics).
    n = h.shape[0]
    h = h @ W
    src = edge_index[0]
    dst = edge_index[1]
    deg = jnp.zeros((n,), dtype=h.dtype).at[dst].add(1.0) + 1.0  # +1 self-loop
    inv_sqrt = 1.0 / jnp.sqrt(deg)
    coef = inv_sqrt[src] * inv_sqrt[dst]
    msg = h[src] * coef[:, None]
    agg = jnp.zeros_like(h).at[dst].add(msg)
    agg = agg + h * (inv_sqrt * inv_sqrt)[:, None]  # self-loop contribution
    return agg + b


def reference(x, edge_index, W_fse1, b_fse1, W_fse2, b_fse2, W_gc1, b_gc1, W_gc2, b_gc2):
    # FSEEmb: feature-set embedding (dense projection + nonlinearity); eval mode -> dropout is identity
    h = jax.nn.relu(x @ W_fse1 + b_fse1)
    # FSEComb: combine embeddings
    h = jax.nn.relu(h @ W_fse2 + b_fse2)
    h = jax.nn.relu(_gcn_conv(h, edge_index, W_gc1, b_gc1))
    h = _gcn_conv(h, edge_index, W_gc2, b_gc2)
    return jax.nn.log_softmax(h, axis=1)

if __name__ == "__main__":
    import jax
    _d = setup_inputs()
    print(jax.jit(kernel)(*tuple(_d.values())))

</pallas_src>

<mosaic_0001>
#map = affine_map<(d0, d1) -> (0, 0)>
module attributes {stable_mosaic.version = 14 : i64} {
  func.func @scat(%arg0: i32, %arg1: i32, %arg2: memref<2x320000xi32, #tpu.memory_space<hbm>>, %arg3: memref<10000x64xf32, #tpu.memory_space<hbm>>, %arg4: memref<10240x64xf32, #tpu.memory_space<hbm>>, %arg5: memref<20480x64xf32, #tpu.memory_space<hbm>>, %arg6: memref<10112xi32, #tpu.memory_space<vmem>>, %arg7: memref<10112xi32, #tpu.memory_space<vmem>>, %arg8: memref<128x64xf32, #tpu.memory_space<vmem>>, %arg9: memref<10240x64xf32, #tpu.memory_space<vmem_shared>>, %arg10: memref<10000x64xf32, #tpu.memory_space<vmem_shared>>, %arg11: memref<!tpu.dma_semaphore, #tpu.memory_space<semaphore_mem>>) attributes {dimension_semantics = [#tpu.dimension_semantics<core_parallel>, #tpu.dimension_semantics<subcore_parallel>], iteration_bounds = array<i64: 2, 16>, scalar_prefetch = 0 : i64, scratch_operands = 6 : i64, tpu.core_type = #tpu.core_type<sc_vector_subcore>, window_params = [{transform_indices = #map}, {transform_indices = #map}, {transform_indices = #map}, {transform_indices = #map}]} {
    %mul3A = arith.constant 2 : i32
    %mul3A_0 = arith.muli %arg1, %mul3A : i32
    %add3A = arith.addi %mul3A_0, %arg0 : i32
    %mul3A_1 = arith.constant 10000 : i32
    %mul3A_2 = arith.muli %add3A, %mul3A_1 : i32
    %run_scoped3A = arith.constant 1 : i32
    "tpu.region"() ({
      %run_scoped3A_81 = tpu.sem_alloc : memref<!tpu.dma_semaphore, #tpu.memory_space<semaphore_mem>>
      %dma_start3A = arith.constant 0 : i32
      %dma_start3A_82 = tpu.memref_slice %arg7[%dma_start3A] : memref<10112xi32, #tpu.memory_space<vmem>> -> memref<10000xi32, #tpu.memory_space<vmem>>
      %dma_start3A_83 = tpu.memref_slice %arg2[%run_scoped3A, %mul3A_2] : memref<2x320000xi32, #tpu.memory_space<hbm>> -> memref<1x10000xi32, #tpu.memory_space<hbm>>
      %dma_start3A_84 = tpu.memref_squeeze %dma_start3A_83 : memref<1x10000xi32, #tpu.memory_space<hbm>> -> memref<10000xi32, #tpu.memory_space<hbm>>
      %dma_start3A_85 = arith.constant 0 : i32
      %dma_start3A_86 = tpu.memref_slice %arg7[%dma_start3A_85] : memref<10112xi32, #tpu.memory_space<vmem>> -> memref<10000xi32, #tpu.memory_space<vmem>>
      %dma_start3A_87 = tpu.memref_slice %arg2[%run_scoped3A, %mul3A_2] : memref<2x320000xi32, #tpu.memory_space<hbm>> -> memref<1x10000xi32, #tpu.memory_space<hbm>>
      %dma_start3A_88 = tpu.memref_squeeze %dma_start3A_87 : memref<1x10000xi32, #tpu.memory_space<hbm>> -> memref<10000xi32, #tpu.memory_space<hbm>>
      tpu.enqueue_dma source(%dma_start3A_88 : memref<10000xi32, #tpu.memory_space<hbm>>) target(%dma_start3A_86 : memref<10000xi32, #tpu.memory_space<vmem>>) target_semaphore(%run_scoped3A_81 : memref<!tpu.dma_semaphore, #tpu.memory_space<semaphore_mem>>)
      %dma_wait3A = arith.constant 0 : i32
      %dma_wait3A_89 = tpu.memref_slice %arg7[%dma_wait3A] : memref<10112xi32, #tpu.memory_space<vmem>> -> memref<10000xi32, #tpu.memory_space<vmem>>
      %dma_wait3A_90 = tpu.memref_slice %arg2[%run_scoped3A, %mul3A_2] : memref<2x320000xi32, #tpu.memory_space<hbm>> -> memref<1x10000xi32, #tpu.memory_space<hbm>>
      %dma_wait3A_91 = tpu.memref_squeeze %dma_wait3A_90 : memref<1x10000xi32, #tpu.memory_space<hbm>> -> memref<10000xi32, #tpu.memory_space<hbm>>
      %dma_wait3A_92 = arith.constant 0 : i32
      %dma_wait3A_93 = tpu.memref_slice %arg7[%dma_wait3A_92] : memref<10112xi32, #tpu.memory_space<vmem>> -> memref<10000xi32, #tpu.memory_space<vmem>>
      %dma_wait3A_94 = tpu.memref_slice %arg2[%run_scoped3A, %mul3A_2] : memref<2x320000xi32, #tpu.memory_space<hbm>> -> memref<1x10000xi32, #tpu.memory_space<hbm>>
      %dma_wait3A_95 = tpu.memref_squeeze %dma_wait3A_94 : memref<1x10000xi32, #tpu.memory_space<hbm>> -> memref<10000xi32, #tpu.memory_space<hbm>>
      tpu.wait_dma2 semaphore(%run_scoped3A_81 : memref<!tpu.dma_semaphore, #tpu.memory_space<semaphore_mem>>) src(%dma_wait3A_95 : memref<10000xi32, #tpu.memory_space<hbm>>) dst(%dma_wait3A_93 : memref<10000xi32, #tpu.memory_space<vmem>>)
      tpu.yield
    }) : () -> ()
    %broadcast_in_dim3A = arith.constant 10000 : i32
    %broadcast_in_dim3A_3 = vector.broadcast %broadcast_in_dim3A : i32 to vector<16xi32>
    %swap3A = arith.constant 10000 : index
    %swap3A_4 = tpu.vector_load %arg7[%swap3A] {strides = array<i32>} : memref<10112xi32, #tpu.memory_space<vmem>>, vector<16xi32>,
    %swap3A_5 = vector.shape_cast %swap3A_4 : vector<16xi32> to vector<16xi32>
    %swap3A_6 = vector.shape_cast %broadcast_in_dim3A_3 : vector<16xi32> to vector<16xi32>
    tpu.vector_store %arg7[%swap3A], %swap3A_6 {strides = array<i32>} : memref<10112xi32, #tpu.memory_space<vmem>>, vector<16xi32>,
    %swap3A_7 = arith.constant 10016 : index
    %swap3A_8 = tpu.vector_load %arg7[%swap3A_7] {strides = array<i32>} : memref<10112xi32, #tpu.memory_space<vmem>>, vector<16xi32>,
    %swap3A_9 = vector.shape_cast %swap3A_8 : vector<16xi32> to vector<16xi32>
    %swap3A_10 = vector.shape_cast %broadcast_in_dim3A_3 : vector<16xi32> to vector<16xi32>
    tpu.vector_store %arg7[%swap3A_7], %swap3A_10 {strides = array<i32>} : memref<10112xi32, #tpu.memory_space<vmem>>, vector<16xi32>,
    %swap3A_11 = arith.constant 10032 : index
    %swap3A_12 = tpu.vector_load %arg7[%swap3A_11] {strides = array<i32>} : memref<10112xi32, #tpu.memory_space<vmem>>, vector<16xi32>,
    %swap3A_13 = vector.shape_cast %swap3A_12 : vector<16xi32> to vector<16xi32>
    %swap3A_14 = vector.shape_cast %broadcast_in_dim3A_3 : vector<16xi32> to vector<16xi32>
    tpu.vector_store %arg7[%swap3A_11], %swap3A_14 {strides = array<i32>} : memref<10112xi32, #tpu.memory_space<vmem>>, vector<16xi32>,
    %swap3A_15 = arith.constant 10048 : index
    %swap3A_16 = tpu.vector_load %arg7[%swap3A_15] {strides = array<i32>} : memref<10112xi32, #tpu.memory_space<vmem>>, vector<16xi32>,
    %swap3A_17 = vector.shape_cast %swap3A_16 : vector<16xi32> to vector<16xi32>
    %swap3A_18 = vector.shape_cast %broadcast_in_dim3A_3 : vector<16xi32> to vector<16xi32>
    tpu.vector_store %arg7[%swap3A_15], %swap3A_18 {strides = array<i32>} : memref<10112xi32, #tpu.memory_space<vmem>>, vector<16xi32>,
    %swap3A_19 = arith.constant 10064 : index
    %swap3A_20 = tpu.vector_load %arg7[%swap3A_19] {strides = array<i32>} : memref<10112xi32, #tpu.memory_space<vmem>>, vector<16xi32>,
    %swap3A_21 = vector.shape_cast %swap3A_20 : vector<16xi32> to vector<16xi32>
    %swap3A_22 = vector.shape_cast %broadcast_in_dim3A_3 : vector<16xi32> to vector<16xi32>
    tpu.vector_store %arg7[%swap3A_19], %swap3A_22 {strides = array<i32>} : memref<10112xi32, #tpu.memory_space<vmem>>, vector<16xi32>,
    %swap3A_23 = arith.constant 10080 : index
    %swap3A_24 = tpu.vector_load %arg7[%swap3A_23] {strides = array<i32>} : memref<10112xi32, #tpu.memory_space<vmem>>, vector<16xi32>,
    %swap3A_25 = vector.shape_cast %swap3A_24 : vector<16xi32> to vector<16xi32>
    %swap3A_26 = vector.shape_cast %broadcast_in_dim3A_3 : vector<16xi32> to vector<16xi32>
    tpu.vector_store %arg7[%swap3A_23], %swap3A_26 {strides = array<i32>} : memref<10112xi32, #tpu.memory_space<vmem>>, vector<16xi32>,
    %swap3A_27 = arith.constant 10096 : index
    %swap3A_28 = tpu.vector_load %arg7[%swap3A_27] {strides = array<i32>} : memref<10112xi32, #tpu.memory_space<vmem>>, vector<16xi32>,
    %swap3A_29 = vector.shape_cast %swap3A_28 : vector<16xi32> to vector<16xi32>
    %swap3A_30 = vector.shape_cast %broadcast_in_dim3A_3 : vector<16xi32> to vector<16xi32>
    tpu.vector_store %arg7[%swap3A_27], %swap3A_30 {strides = array<i32>} : memref<10112xi32, #tpu.memory_space<vmem>>, vector<16xi32>,
    %run_scoped3A_31 = arith.constant 0 : i32
    "tpu.region"() ({
      %run_scoped3A_81 = tpu.sem_alloc : memref<!tpu.dma_semaphore, #tpu.memory_space<semaphore_mem>>
      %dma_start3A = arith.constant 0 : i32
      %dma_start3A_82 = tpu.memref_slice %arg6[%dma_start3A] : memref<10112xi32, #tpu.memory_space<vmem>> -> memref<10000xi32, #tpu.memory_space<vmem>>
      %dma_start3A_83 = tpu.memref_slice %arg2[%run_scoped3A_31, %mul3A_2] : memref<2x320000xi32, #tpu.memory_space<hbm>> -> memref<1x10000xi32, #tpu.memory_space<hbm>>
      %dma_start3A_84 = tpu.memref_squeeze %dma_start3A_83 : memref<1x10000xi32, #tpu.memory_space<hbm>> -> memref<10000xi32, #tpu.memory_space<hbm>>
      %dma_start3A_85 = arith.constant 0 : i32
      %dma_start3A_86 = tpu.memref_slice %arg6[%dma_start3A_85] : memref<10112xi32, #tpu.memory_space<vmem>> -> memref<10000xi32, #tpu.memory_space<vmem>>
      %dma_start3A_87 = tpu.memref_slice %arg2[%run_scoped3A_31, %mul3A_2] : memref<2x320000xi32, #tpu.memory_space<hbm>> -> memref<1x10000xi32, #tpu.memory_space<hbm>>
      %dma_start3A_88 = tpu.memref_squeeze %dma_start3A_87 : memref<1x10000xi32, #tpu.memory_space<hbm>> -> memref<10000xi32, #tpu.memory_space<hbm>>
      tpu.enqueue_dma source(%dma_start3A_88 : memref<10000xi32, #tpu.memory_space<hbm>>) target(%dma_start3A_86 : memref<10000xi32, #tpu.memory_space<vmem>>) target_semaphore(%run_scoped3A_81 : memref<!tpu.dma_semaphore, #tpu.memory_space<semaphore_mem>>)
      %dma_wait3A = arith.constant 0 : i32
      %dma_wait3A_89 = tpu.memref_slice %arg6[%dma_wait3A] : memref<10112xi32, #tpu.memory_space<vmem>> -> memref<10000xi32, #tpu.memory_space<vmem>>
      %dma_wait3A_90 = tpu.memref_slice %arg2[%run_scoped3A_31, %mul3A_2] : memref<2x320000xi32, #tpu.memory_space<hbm>> -> memref<1x10000xi32, #tpu.memory_space<hbm>>
      %dma_wait3A_91 = tpu.memref_squeeze %dma_wait3A_90 : memref<1x10000xi32, #tpu.memory_space<hbm>> -> memref<10000xi32, #tpu.memory_space<hbm>>
      %dma_wait3A_92 = arith.constant 0 : i32
      %dma_wait3A_93 = tpu.memref_slice %arg6[%dma_wait3A_92] : memref<10112xi32, #tpu.memory_space<vmem>> -> memref<10000xi32, #tpu.memory_space<vmem>>
      %dma_wait3A_94 = tpu.memref_slice %arg2[%run_scoped3A_31, %mul3A_2] : memref<2x320000xi32, #tpu.memory_space<hbm>> -> memref<1x10000xi32, #tpu.memory_space<hbm>>
      %dma_wait3A_95 = tpu.memref_squeeze %dma_wait3A_94 : memref<1x10000xi32, #tpu.memory_space<hbm>> -> memref<10000xi32, #tpu.memory_space<hbm>>
      tpu.wait_dma2 semaphore(%run_scoped3A_81 : memref<!tpu.dma_semaphore, #tpu.memory_space<semaphore_mem>>) src(%dma_wait3A_95 : memref<10000xi32, #tpu.memory_space<hbm>>) dst(%dma_wait3A_93 : memref<10000xi32, #tpu.memory_space<vmem>>)
      tpu.yield
    }) : () -> ()
    %broadcast_in_dim3A_32 = arith.constant 0 : i32
    %broadcast_in_dim3A_33 = vector.broadcast %broadcast_in_dim3A_32 : i32 to vector<16xi32>
    %swap3A_34 = arith.constant 10000 : index
    %swap3A_35 = tpu.vector_load %arg6[%swap3A_34] {strides = array<i32>} : memref<10112xi32, #tpu.memory_space<vmem>>, vector<16xi32>,
    %swap3A_36 = vector.shape_cast %swap3A_35 : vector<16xi32> to vector<16xi32>
    %swap3A_37 = vector.shape_cast %broadcast_in_dim3A_33 : vector<16xi32> to vector<16xi32>
    tpu.vector_store %arg6[%swap3A_34], %swap3A_37 {strides = array<i32>} : memref<10112xi32, #tpu.memory_space<vmem>>, vector<16xi32>,
    %swap3A_38 = arith.constant 10016 : index
    %swap3A_39 = tpu.vector_load %arg6[%swap3A_38] {strides = array<i32>} : memref<10112xi32, #tpu.memory_space<vmem>>, vector<16xi32>,
    %swap3A_40 = vector.shape_cast %swap3A_39 : vector<16xi32> to vector<16xi32>
    %swap3A_41 = vector.shape_cast %broadcast_in_dim3A_33 : vector<16xi32> to vector<16xi32>
    tpu.vector_store %arg6[%swap3A_38], %swap3A_41 {strides = array<i32>} : memref<10112xi32, #tpu.memory_space<vmem>>, vector<16xi32>,
    %swap3A_42 = arith.constant 10032 : index
    %swap3A_43 = tpu.vector_load %arg6[%swap3A_42] {strides = array<i32>} : memref<10112xi32, #tpu.memory_space<vmem>>, vector<16xi32>,
    %swap3A_44 = vector.shape_cast %swap3A_43 : vector<16xi32> to vector<16xi32>
    %swap3A_45 = vector.shape_cast %broadcast_in_dim3A_33 : vector<16xi32> to vector<16xi32>
    tpu.vector_store %arg6[%swap3A_42], %swap3A_45 {strides = array<i32>} : memref<10112xi32, #tpu.memory_space<vmem>>, vector<16xi32>,
    %swap3A_46 = arith.constant 10048 : index
    %swap3A_47 = tpu.vector_load %arg6[%swap3A_46] {strides = array<i32>} : memref<10112xi32, #tpu.memory_space<vmem>>, vector<16xi32>,
    %swap3A_48 = vector.shape_cast %swap3A_47 : vector<16xi32> to vector<16xi32>
    %swap3A_49 = vector.shape_cast %broadcast_in_dim3A_33 : vector<16xi32> to vector<16xi32>
    tpu.vector_store %arg6[%swap3A_46], %swap3A_49 {strides = array<i32>} : memref<10112xi32, #tpu.memory_space<vmem>>, vector<16xi32>,
    %swap3A_50 = arith.constant 10064 : index
    %swap3A_51 = tpu.vector_load %arg6[%swap3A_50] {strides = array<i32>} : memref<10112xi32, #tpu.memory_space<vmem>>, vector<16xi32>,
    %swap3A_52 = vector.shape_cast %swap3A_51 : vector<16xi32> to vector<16xi32>
    %swap3A_53 = vector.shape_cast %broadcast_in_dim3A_33 : vector<16xi32> to vector<16xi32>
    tpu.vector_store %arg6[%swap3A_50], %swap3A_53 {strides = array<i32>} : memref<10112xi32, #tpu.memory_space<vmem>>, vector<16xi32>,
    %swap3A_54 = arith.constant 10080 : index
    %swap3A_55 = tpu.vector_load %arg6[%swap3A_54] {strides = array<i32>} : memref<10112xi32, #tpu.memory_space<vmem>>, vector<16xi32>,
    %swap3A_56 = vector.shape_cast %swap3A_55 : vector<16xi32> to vector<16xi32>
    %swap3A_57 = vector.shape_cast %broadcast_in_dim3A_33 : vector<16xi32> to vector<16xi32>
    tpu.vector_store %arg6[%swap3A_54], %swap3A_57 {strides = array<i32>} : memref<10112xi32, #tpu.memory_space<vmem>>, vector<16xi32>,
    %swap3A_58 = arith.constant 10096 : index
    %swap3A_59 = tpu.vector_load %arg6[%swap3A_58] {strides = array<i32>} : memref<10112xi32, #tpu.memory_space<vmem>>, vector<16xi32>,
    %swap3A_60 = vector.shape_cast %swap3A_59 : vector<16xi32> to vector<16xi32>
    %swap3A_61 = vector.shape_cast %broadcast_in_dim3A_33 : vector<16xi32> to vector<16xi32>
    tpu.vector_store %arg6[%swap3A_58], %swap3A_61 {strides = array<i32>} : memref<10112xi32, #tpu.memory_space<vmem>>, vector<16xi32>,
    %lt3A = arith.constant 10 : i32
    %lt3A_62 = arith.cmpi slt, %arg1, %lt3A : i32
    %convert_element_type3A = arith.extui %lt3A_62 : i1 to i32
    %cond3A = arith.constant 0 : i32
    %cond3A_63 = arith.cmpi ne, %convert_element_type3A, %cond3A : i32
    scf.if %cond3A_63 {
      %mul3A_81 = arith.constant 1000 : i32
      %mul3A_82 = arith.muli %arg1, %mul3A_81 : i32
      %mul3A_83 = arith.constant 1000 : i32
      %mul3A_84 = arith.muli %arg1, %mul3A_83 : i32
      "tpu.region"() ({
        %run_scoped3A_85 = tpu.sem_alloc : memref<!tpu.dma_semaphore, #tpu.memory_space<semaphore_mem>>
        %dma_start3A = arith.constant 0 : i32
        %dma_start3A_86 = tpu.memref_slice %arg10[%mul3A_84, %dma_start3A] : memref<10000x64xf32, #tpu.memory_space<vmem_shared>> -> memref<1000x64xf32, #tpu.memory_space<vmem_shared>>
        %dma_start3A_87 = arith.constant 0 : i32
        %dma_start3A_88 = tpu.memref_slice %arg3[%mul3A_82, %dma_start3A_87] : memref<10000x64xf32, #tpu.memory_space<hbm>> -> memref<1000x64xf32, #tpu.memory_space<hbm>>
        tpu.enqueue_dma source(%dma_start3A_88 : memref<1000x64xf32, #tpu.memory_space<hbm>>) target(%dma_start3A_86 : memref<1000x64xf32, #tpu.memory_space<vmem_shared>>) target_semaphore(%run_scoped3A_85 : memref<!tpu.dma_semaphore, #tpu.memory_space<semaphore_mem>>)
        %dma_wait3A = arith.constant 0 : i32
        %dma_wait3A_89 = tpu.memref_slice %arg10[%mul3A_84, %dma_wait3A] : memref<10000x64xf32, #tpu.memory_space<vmem_shared>> -> memref<1000x64xf32, #tpu.memory_space<vmem_shared>>
        %dma_wait3A_90 = arith.constant 0 : i32
        %dma_wait3A_91 = tpu.memref_slice %arg3[%mul3A_82, %dma_wait3A_90] : memref<10000x64xf32, #tpu.memory_space<hbm>> -> memref<1000x64xf32, #tpu.memory_space<hbm>>
        tpu.wait_dma2 semaphore(%run_scoped3A_85 : memref<!tpu.dma_semaphore, #tpu.memory_space<semaphore_mem>>) src(%dma_wait3A_91 : memref<1000x64xf32, #tpu.memory_space<hbm>>) dst(%dma_wait3A_89 : memref<1000x64xf32, #tpu.memory_space<vmem_shared>>)
        tpu.yield
      }) : () -> ()
    } else {
    }
    %mul3A_64 = arith.constant 640 : i32
    %mul3A_65 = arith.muli %arg1, %mul3A_64 : i32
    %mul3A_66 = arith.constant 640 : i32
    %mul3A_67 = arith.muli %arg1, %mul3A_66 : i32
    "tpu.region"() ({
      %run_scoped3A_81 = tpu.sem_alloc : memref<!tpu.dma_semaphore, #tpu.memory_space<semaphore_mem>>
      %dma_start3A = arith.constant 0 : i32
      %dma_start3A_82 = tpu.memref_slice %arg9[%mul3A_67, %dma_start3A] : memref<10240x64xf32, #tpu.memory_space<vmem_shared>> -> memref<640x64xf32, #tpu.memory_space<vmem_shared>>
      %dma_start3A_83 = arith.constant 0 : i32
      %dma_start3A_84 = tpu.memref_slice %arg4[%mul3A_65, %dma_start3A_83] : memref<10240x64xf32, #tpu.memory_space<hbm>> -> memref<640x64xf32, #tpu.memory_space<hbm>>
      tpu.enqueue_dma source(%dma_start3A_84 : memref<640x64xf32, #tpu.memory_space<hbm>>) target(%dma_start3A_82 : memref<640x64xf32, #tpu.memory_space<vmem_shared>>) target_semaphore(%run_scoped3A_81 : memref<!tpu.dma_semaphore, #tpu.memory_space<semaphore_mem>>)
      %dma_wait3A = arith.constant 0 : i32
      %dma_wait3A_85 = tpu.memref_slice %arg9[%mul3A_67, %dma_wait3A] : memref<10240x64xf32, #tpu.memory_space<vmem_shared>> -> memref<640x64xf32, #tpu.memory_space<vmem_shared>>
      %dma_wait3A_86 = arith.constant 0 : i32
      %dma_wait3A_87 = tpu.memref_slice %arg4[%mul3A_65, %dma_wait3A_86] : memref<10240x64xf32, #tpu.memory_space<hbm>> -> memref<640x64xf32, #tpu.memory_space<hbm>>
      tpu.wait_dma2 semaphore(%run_scoped3A_81 : memref<!tpu.dma_semaphore, #tpu.memory_space<semaphore_mem>>) src(%dma_wait3A_87 : memref<640x64xf32, #tpu.memory_space<hbm>>) dst(%dma_wait3A_85 : memref<640x64xf32, #tpu.memory_space<vmem_shared>>)
      tpu.yield
    }) : () -> ()
    %barrier3A = arith.constant 0 : index
    tpu.barrier barrier_id(%barrier3A)
    %scan3A = arith.constant 0 : i32
    %scan3A_68 = arith.constant 0 : i32
    %scan3A_69 = arith.constant 79 : i32
    %scan3A_70 = arith.addi %scan3A_68, %scan3A_69 : i32
    %scan3A_71 = arith.constant 1 : i32
    scf.for %scan3A_81 = %scan3A_68 to %scan3A_70 step %scan3A_71  : i32 {
      %mul3A_82 = arith.constant 128 : i32
      %mul3A_83 = arith.muli %scan3A_81, %mul3A_82 : i32
      %dma_start3A = tpu.memref_slice %arg6[%mul3A_83] : memref<10112xi32, #tpu.memory_space<vmem>> -> memref<128xi32, #tpu.memory_space<vmem>>
      %dma_start3A_84 = arith.constant 0 : i32
      %dma_start3A_85 = arith.constant 0 : i32
      %dma_start3A_86 = tpu.memref_slice %arg10[%dma_start3A_84, %dma_start3A_85] : memref<10000x64xf32, #tpu.memory_space<vmem_shared>> -> memref<10000x64xf32, #tpu.memory_space<vmem_shared>>
      tpu.enqueue_indirect_dma source(%dma_start3A_86 : memref<10000x64xf32, #tpu.memory_space<vmem_shared>>) target(%arg8 : memref<128x64xf32, #tpu.memory_space<vmem>>) offsets(%dma_start3A : memref<128xi32, #tpu.memory_space<vmem>>) semaphore(%arg11 : memref<!tpu.dma_semaphore, #tpu.memory_space<semaphore_mem>>)
      %dma_wait3A = tpu.memref_slice %arg6[%mul3A_83] : memref<10112xi32, #tpu.memory_space<vmem>> -> memref<128xi32, #tpu.memory_space<vmem>>
      %dma_wait3A_87 = arith.constant 0 : i32
      %dma_wait3A_88 = arith.constant 0 : i32
      %dma_wait3A_89 = tpu.memref_slice %arg10[%dma_wait3A_87, %dma_wait3A_88] : memref<10000x64xf32, #tpu.memory_space<vmem_shared>> -> memref<10000x64xf32, #tpu.memory_space<vmem_shared>>
      tpu.wait_indirect_dma semaphore(%arg11 : memref<!tpu.dma_semaphore, #tpu.memory_space<semaphore_mem>>) src(%dma_wait3A_89 : memref<10000x64xf32, #tpu.memory_space<vmem_shared>>) dst(%arg8 : memref<128x64xf32, #tpu.memory_space<vmem>>)
      %mul3A_90 = arith.constant 128 : i32
      %mul3A_91 = arith.muli %scan3A_81, %mul3A_90 : i32
      "tpu.region"() ({
        %run_scoped3A_92 = tpu.sem_alloc : memref<!tpu.dma_semaphore, #tpu.memory_space<semaphore_mem>>
        %dma_start3A_93 = tpu.memref_slice %arg7[%mul3A_91] : memref<10112xi32, #tpu.memory_space<vmem>> -> memref<128xi32, #tpu.memory_space<vmem>>
        %dma_start3A_94 = arith.constant 0 : i32
        %dma_start3A_95 = arith.constant 0 : i32
        %dma_start3A_96 = tpu.memref_slice %arg9[%dma_start3A_94, %dma_start3A_95] : memref<10240x64xf32, #tpu.memory_space<vmem_shared>> -> memref<10240x64xf32, #tpu.memory_space<vmem_shared>>
        tpu.enqueue_indirect_dma source(%arg8 : memref<128x64xf32, #tpu.memory_space<vmem>>) target(%dma_start3A_96 : memref<10240x64xf32, #tpu.memory_space<vmem_shared>>) offsets(%dma_start3A_93 : memref<128xi32, #tpu.memory_space<vmem>>) semaphore(%run_scoped3A_92 : memref<!tpu.dma_semaphore, #tpu.memory_space<semaphore_mem>>) {add = true}
        %dma_wait3A_97 = tpu.memref_slice %arg7[%mul3A_91] : memref<10112xi32, #tpu.memory_space<vmem>> -> memref<128xi32, #tpu.memory_space<vmem>>
        %dma_wait3A_98 = arith.constant 0 : i32
        %dma_wait3A_99 = arith.constant 0 : i32
        %dma_wait3A_100 = tpu.memref_slice %arg9[%dma_wait3A_98, %dma_wait3A_99] : memref<10240x64xf32, #tpu.memory_space<vmem_shared>> -> memref<10240x64xf32, #tpu.memory_space<vmem_shared>>
        tpu.wait_indirect_dma semaphore(%run_scoped3A_92 : memref<!tpu.dma_semaphore, #tpu.memory_space<semaphore_mem>>) src(%arg8 : memref<128x64xf32, #tpu.memory_space<vmem>>) dst(%dma_wait3A_100 : memref<10240x64xf32, #tpu.memory_space<vmem_shared>>)
        tpu.yield
      }) : () -> ()
    }
    %scan3A_72 = arith.constant 79 : i32
    %barrier3A_73 = arith.constant 0 : index
    tpu.barrier barrier_id(%barrier3A_73)
    %mul3A_74 = arith.constant 640 : i32
    %mul3A_75 = arith.muli %arg1, %mul3A_74 : i32
    %mul3A_76 = arith.constant 10240 : i32
    %mul3A_77 = arith.muli %arg0, %mul3A_76 : i32
    %mul3A_78 = arith.constant 640 : i32
    %mul3A_79 = arith.muli %arg1, %mul3A_78 : i32
    %add3A_80 = arith.addi %mul3A_77, %mul3A_79 : i32
    "tpu.region"() ({
      %run_scoped3A_81 = tpu.sem_alloc : memref<!tpu.dma_semaphore, #tpu.memory_space<semaphore_mem>>
      %dma_start3A = arith.constant 0 : i32
      %dma_start3A_82 = tpu.memref_slice %arg5[%add3A_80, %dma_start3A] : memref<20480x64xf32, #tpu.memory_space<hbm>> -> memref<640x64xf32, #tpu.memory_space<hbm>>
      %dma_start3A_83 = arith.constant 0 : i32
      %dma_start3A_84 = tpu.memref_slice %arg9[%mul3A_75, %dma_start3A_83] : memref<10240x64xf32, #tpu.memory_space<vmem_shared>> -> memref<640x64xf32, #tpu.memory_space<vmem_shared>>
      tpu.enqueue_dma source(%dma_start3A_84 : memref<640x64xf32, #tpu.memory_space<vmem_shared>>) target(%dma_start3A_82 : memref<640x64xf32, #tpu.memory_space<hbm>>) target_semaphore(%run_scoped3A_81 : memref<!tpu.dma_semaphore, #tpu.memory_space<semaphore_mem>>)
      %dma_wait3A = arith.constant 0 : i32
      %dma_wait3A_85 = tpu.memref_slice %arg5[%add3A_80, %dma_wait3A] : memref<20480x64xf32, #tpu.memory_space<hbm>> -> memref<640x64xf32, #tpu.memory_space<hbm>>
      %dma_wait3A_86 = arith.constant 0 : i32
      %dma_wait3A_87 = tpu.memref_slice %arg9[%mul3A_75, %dma_wait3A_86] : memref<10240x64xf32, #tpu.memory_space<vmem_shared>> -> memref<640x64xf32, #tpu.memory_space<vmem_shared>>
      tpu.wait_dma2 semaphore(%run_scoped3A_81 : memref<!tpu.dma_semaphore, #tpu.memory_space<semaphore_mem>>) src(%dma_wait3A_87 : memref<640x64xf32, #tpu.memory_space<vmem_shared>>) dst(%dma_wait3A_85 : memref<640x64xf32, #tpu.memory_space<hbm>>)
      tpu.yield
    }) : () -> ()
    return
  }
}

#map = affine_map<(d0, d1) -> (0, 0)>
module attributes {stable_mosaic.version = 14 : i64} {
  func.func @scat(%arg0: i32, %arg1: i32, %arg2: memref<2x320000xi32, #tpu.memory_space<hbm>>, %arg3: memref<128x16xf32, #tpu.memory_space<hbm>>, %arg4: memref<10240x16xf32, #tpu.memory_space<hbm>>, %arg5: memref<20480x16xf32, #tpu.memory_space<hbm>>, %arg6: memref<10112xi32, #tpu.memory_space<vmem>>, %arg7: memref<10112xi32, #tpu.memory_space<vmem>>, %arg8: memref<128x16xf32, #tpu.memory_space<vmem>>, %arg9: memref<10240x16xf32, #tpu.memory_space<vmem_shared>>, %arg10: memref<1x16xf32, #tpu.memory_space<vmem_shared>>, %arg11: memref<!tpu.dma_semaphore, #tpu.memory_space<semaphore_mem>>) attributes {dimension_semantics = [#tpu.dimension_semantics<core_parallel>, #tpu.dimension_semantics<subcore_parallel>], iteration_bounds = array<i64: 2, 16>, scalar_prefetch = 0 : i64, scratch_operands = 6 : i64, tpu.core_type = #tpu.core_type<sc_vector_subcore>, window_params = [{transform_indices = #map}, {transform_indices = #map}, {transform_indices = #map}, {transform_indices = #map}]} {
    %mul3A = arith.constant 2 : i32
    %mul3A_0 = arith.muli %arg1, %mul3A : i32
    %add3A = arith.addi %mul3A_0, %arg0 : i32
    %mul3A_1 = arith.constant 10000 : i32
    %mul3A_2 = arith.muli %add3A, %mul3A_1 : i32
    %run_scoped3A = arith.constant 1 : i32
    "tpu.region"() ({
      %run_scoped3A_48 = tpu.sem_alloc : memref<!tpu.dma_semaphore, #tpu.memory_space<semaphore_mem>>
      %dma_start3A = arith.constant 0 : i32
      %dma_start3A_49 = tpu.memref_slice %arg7[%dma_start3A] : memref<10112xi32, #tpu.memory_space<vmem>> -> memref<10000xi32, #tpu.memory_space<vmem>>
      %dma_start3A_50 = tpu.memref_slice %arg2[%run_scoped3A, %mul3A_2] : memref<2x320000xi32, #tpu.memory_space<hbm>> -> memref<1x10000xi32, #tpu.memory_space<hbm>>
      %dma_start3A_51 = tpu.memref_squeeze %dma_start3A_50 : memref<1x10000xi32, #tpu.memory_space<hbm>> -> memref<10000xi32, #tpu.memory_space<hbm>>
      %dma_start3A_52 = arith.constant 0 : i32
      %dma_start3A_53 = tpu.memref_slice %arg7[%dma_start3A_52] : memref<10112xi32, #tpu.memory_space<vmem>> -> memref<10000xi32, #tpu.memory_space<vmem>>
      %dma_start3A_54 = tpu.memref_slice %arg2[%run_scoped3A, %mul3A_2] : memref<2x320000xi32, #tpu.memory_space<hbm>> -> memref<1x10000xi32, #tpu.memory_space<hbm>>
      %dma_start3A_55 = tpu.memref_squeeze %dma_start3A_54 : memref<1x10000xi32, #tpu.memory_space<hbm>> -> memref<10000xi32, #tpu.memory_space<hbm>>
      tpu.enqueue_dma source(%dma_start3A_55 : memref<10000xi32, #tpu.memory_space<hbm>>) target(%dma_start3A_53 : memref<10000xi32, #tpu.memory_space<vmem>>) target_semaphore(%run_scoped3A_48 : memref<!tpu.dma_semaphore, #tpu.memory_space<semaphore_mem>>)
      %dma_wait3A = arith.constant 0 : i32
      %dma_wait3A_56 = tpu.memref_slice %arg7[%dma_wait3A] : memref<10112xi32, #tpu.memory_space<vmem>> -> memref<10000xi32, #tpu.memory_space<vmem>>
      %dma_wait3A_57 = tpu.memref_slice %arg2[%run_scoped3A, %mul3A_2] : memref<2x320000xi32, #tpu.memory_space<hbm>> -> memref<1x10000xi32, #tpu.memory_space<hbm>>
      %dma_wait3A_58 = tpu.memref_squeeze %dma_wait3A_57 : memref<1x10000xi32, #tpu.memory_space<hbm>> -> memref<10000xi32, #tpu.memory_space<hbm>>
      %dma_wait3A_59 = arith.constant 0 : i32
      %dma_wait3A_60 = tpu.memref_slice %arg7[%dma_wait3A_59] : memref<10112xi32, #tpu.memory_space<vmem>> -> memref<10000xi32, #tpu.memory_space<vmem>>
      %dma_wait3A_61 = tpu.memref_slice %arg2[%run_scoped3A, %mul3A_2] : memref<2x320000xi32, #tpu.memory_space<hbm>> -> memref<1x10000xi32, #tpu.memory_space<hbm>>
      %dma_wait3A_62 = tpu.memref_squeeze %dma_wait3A_61 : memref<1x10000xi32, #tpu.memory_space<hbm>> -> memref<10000xi32, #tpu.memory_space<hbm>>
      tpu.wait_dma2 semaphore(%run_scoped3A_48 : memref<!tpu.dma_semaphore, #tpu.memory_space<semaphore_mem>>) src(%dma_wait3A_62 : memref<10000xi32, #tpu.memory_space<hbm>>) dst(%dma_wait3A_60 : memref<10000xi32, #tpu.memory_space<vmem>>)
      tpu.yield
    }) : () -> ()
    %broadcast_in_dim3A = arith.constant 10000 : i32
    %broadcast_in_dim3A_3 = vector.broadcast %broadcast_in_dim3A : i32 to vector<16xi32>
    %swap3A = arith.constant 10000 : index
    %swap3A_4 = tpu.vector_load %arg7[%swap3A] {strides = array<i32>} : memref<10112xi32, #tpu.memory_space<vmem>>, vector<16xi32>,
    %swap3A_5 = vector.shape_cast %swap3A_4 : vector<16xi32> to vector<16xi32>
    %swap3A_6 = vector.shape_cast %broadcast_in_dim3A_3 : vector<16xi32> to vector<16xi32>
    tpu.vector_store %arg7[%swap3A], %swap3A_6 {strides = array<i32>} : memref<10112xi32, #tpu.memory_space<vmem>>, vector<16xi32>,
    %swap3A_7 = arith.constant 10016 : index
    %swap3A_8 = tpu.vector_load %arg7[%swap3A_7] {strides = array<i32>} : memref<10112xi32, #tpu.memory_space<vmem>>, vector<16xi32>,
    %swap3A_9 = vector.shape_cast %swap3A_8 : vector<16xi32> to vector<16xi32>
    %swap3A_10 = vector.shape_cast %broadcast_in_dim3A_3 : vector<16xi32> to vector<16xi32>
    tpu.vector_store %arg7[%swap3A_7], %swap3A_10 {strides = array<i32>} : memref<10112xi32, #tpu.memory_space<vmem>>, vector<16xi32>,
    %swap3A_11 = arith.constant 10032 : index
    %swap3A_12 = tpu.vector_load %arg7[%swap3A_11] {strides = array<i32>} : memref<10112xi32, #tpu.memory_space<vmem>>, vector<16xi32>,
    %swap3A_13 = vector.shape_cast %swap3A_12 : vector<16xi32> to vector<16xi32>
    %swap3A_14 = vector.shape_cast %broadcast_in_dim3A_3 : vector<16xi32> to vector<16xi32>
    tpu.vector_store %arg7[%swap3A_11], %swap3A_14 {strides = array<i32>} : memref<10112xi32, #tpu.memory_space<vmem>>, vector<16xi32>,
    %swap3A_15 = arith.constant 10048 : index
    %swap3A_16 = tpu.vector_load %arg7[%swap3A_15] {strides = array<i32>} : memref<10112xi32, #tpu.memory_space<vmem>>, vector<16xi32>,
    %swap3A_17 = vector.shape_cast %swap3A_16 : vector<16xi32> to vector<16xi32>
    %swap3A_18 = vector.shape_cast %broadcast_in_dim3A_3 : vector<16xi32> to vector<16xi32>
    tpu.vector_store %arg7[%swap3A_15], %swap3A_18 {strides = array<i32>} : memref<10112xi32, #tpu.memory_space<vmem>>, vector<16xi32>,
    %swap3A_19 = arith.constant 10064 : index
    %swap3A_20 = tpu.vector_load %arg7[%swap3A_19] {strides = array<i32>} : memref<10112xi32, #tpu.memory_space<vmem>>, vector<16xi32>,
    %swap3A_21 = vector.shape_cast %swap3A_20 : vector<16xi32> to vector<16xi32>
    %swap3A_22 = vector.shape_cast %broadcast_in_dim3A_3 : vector<16xi32> to vector<16xi32>
    tpu.vector_store %arg7[%swap3A_19], %swap3A_22 {strides = array<i32>} : memref<10112xi32, #tpu.memory_space<vmem>>, vector<16xi32>,
    %swap3A_23 = arith.constant 10080 : index
    %swap3A_24 = tpu.vector_load %arg7[%swap3A_23] {strides = array<i32>} : memref<10112xi32, #tpu.memory_space<vmem>>, vector<16xi32>,
    %swap3A_25 = vector.shape_cast %swap3A_24 : vector<16xi32> to vector<16xi32>
    %swap3A_26 = vector.shape_cast %broadcast_in_dim3A_3 : vector<16xi32> to vector<16xi32>
    tpu.vector_store %arg7[%swap3A_23], %swap3A_26 {strides = array<i32>} : memref<10112xi32, #tpu.memory_space<vmem>>, vector<16xi32>,
    %swap3A_27 = arith.constant 10096 : index
    %swap3A_28 = tpu.vector_load %arg7[%swap3A_27] {strides = array<i32>} : memref<10112xi32, #tpu.memory_space<vmem>>, vector<16xi32>,
    %swap3A_29 = vector.shape_cast %swap3A_28 : vector<16xi32> to vector<16xi32>
    %swap3A_30 = vector.shape_cast %broadcast_in_dim3A_3 : vector<16xi32> to vector<16xi32>
    tpu.vector_store %arg7[%swap3A_27], %swap3A_30 {strides = array<i32>} : memref<10112xi32, #tpu.memory_space<vmem>>, vector<16xi32>,
    "tpu.region"() ({
      %run_scoped3A_48 = tpu.sem_alloc : memref<!tpu.dma_semaphore, #tpu.memory_space<semaphore_mem>>
      tpu.enqueue_dma source(%arg3 : memref<128x16xf32, #tpu.memory_space<hbm>>) target(%arg8 : memref<128x16xf32, #tpu.memory_space<vmem>>) target_semaphore(%run_scoped3A_48 : memref<!tpu.dma_semaphore, #tpu.memory_space<semaphore_mem>>)
      tpu.wait_dma2 semaphore(%run_scoped3A_48 : memref<!tpu.dma_semaphore, #tpu.memory_space<semaphore_mem>>) src(%arg3 : memref<128x16xf32, #tpu.memory_space<hbm>>) dst(%arg8 : memref<128x16xf32, #tpu.memory_space<vmem>>)
      tpu.yield
    }) : () -> ()
    %mul3A_31 = arith.constant 640 : i32
    %mul3A_32 = arith.muli %arg1, %mul3A_31 : i32
    %mul3A_33 = arith.constant 640 : i32
    %mul3A_34 = arith.muli %arg1, %mul3A_33 : i32
    "tpu.region"() ({
      %run_scoped3A_48 = tpu.sem_alloc : memref<!tpu.dma_semaphore, #tpu.memory_space<semaphore_mem>>
      %dma_start3A = arith.constant 0 : i32
      %dma_start3A_49 = tpu.memref_slice %arg9[%mul3A_34, %dma_start3A] : memref<10240x16xf32, #tpu.memory_space<vmem_shared>> -> memref<640x16xf32, #tpu.memory_space<vmem_shared>>
      %dma_start3A_50 = arith.constant 0 : i32
      %dma_start3A_51 = tpu.memref_slice %arg4[%mul3A_32, %dma_start3A_50] : memref<10240x16xf32, #tpu.memory_space<hbm>> -> memref<640x16xf32, #tpu.memory_space<hbm>>
      tpu.enqueue_dma source(%dma_start3A_51 : memref<640x16xf32, #tpu.memory_space<hbm>>) target(%dma_start3A_49 : memref<640x16xf32, #tpu.memory_space<vmem_shared>>) target_semaphore(%run_scoped3A_48 : memref<!tpu.dma_semaphore, #tpu.memory_space<semaphore_mem>>)
      %dma_wait3A = arith.constant 0 : i32
      %dma_wait3A_52 = tpu.memref_slice %arg9[%mul3A_34, %dma_wait3A] : memref<10240x16xf32, #tpu.memory_space<vmem_shared>> -> memref<640x16xf32, #tpu.memory_space<vmem_shared>>
      %dma_wait3A_53 = arith.constant 0 : i32
      %dma_wait3A_54 = tpu.memref_slice %arg4[%mul3A_32, %dma_wait3A_53] : memref<10240x16xf32, #tpu.memory_space<hbm>> -> memref<640x16xf32, #tpu.memory_space<hbm>>
      tpu.wait_dma2 semaphore(%run_scoped3A_48 : memref<!tpu.dma_semaphore, #tpu.memory_space<semaphore_mem>>) src(%dma_wait3A_54 : memref<640x16xf32, #tpu.memory_space<hbm>>) dst(%dma_wait3A_52 : memref<640x16xf32, #tpu.memory_space<vmem_shared>>)
      tpu.yield
    }) : () -> ()
    %barrier3A = arith.constant 0 : index
    tpu.barrier barrier_id(%barrier3A)
    %scan3A = arith.constant 0 : i32
    %scan3A_35 = arith.constant 0 : i32
    %scan3A_36 = arith.constant 79 : i32
    %scan3A_37 = arith.addi %scan3A_35, %scan3A_36 : i32
    %scan3A_38 = arith.constant 1 : i32
    scf.for %scan3A_48 = %scan3A_35 to %scan3A_37 step %scan3A_38  : i32 {
      %mul3A_49 = arith.constant 128 : i32
      %mul3A_50 = arith.muli %scan3A_48, %mul3A_49 : i32
      "tpu.region"() ({
        %run_scoped3A_51 = tpu.sem_alloc : memref<!tpu.dma_semaphore, #tpu.memory_space<semaphore_mem>>
        %dma_start3A = tpu.memref_slice %arg7[%mul3A_50] : memref<10112xi32, #tpu.memory_space<vmem>> -> memref<128xi32, #tpu.memory_space<vmem>>
        %dma_start3A_52 = arith.constant 0 : i32
        %dma_start3A_53 = arith.constant 0 : i32
        %dma_start3A_54 = tpu.memref_slice %arg9[%dma_start3A_52, %dma_start3A_53] : memref<10240x16xf32, #tpu.memory_space<vmem_shared>> -> memref<10240x16xf32, #tpu.memory_space<vmem_shared>>
        tpu.enqueue_indirect_dma source(%arg8 : memref<128x16xf32, #tpu.memory_space<vmem>>) target(%dma_start3A_54 : memref<10240x16xf32, #tpu.memory_space<vmem_shared>>) offsets(%dma_start3A : memref<128xi32, #tpu.memory_space<vmem>>) semaphore(%run_scoped3A_51 : memref<!tpu.dma_semaphore, #tpu.memory_space<semaphore_mem>>) {add = true}
        %dma_wait3A = tpu.memref_slice %arg7[%mul3A_50] : memref<10112xi32, #tpu.memory_space<vmem>> -> memref<128xi32, #tpu.memory_space<vmem>>
        %dma_wait3A_55 = arith.constant 0 : i32
        %dma_wait3A_56 = arith.constant 0 : i32
        %dma_wait3A_57 = tpu.memref_slice %arg9[%dma_wait3A_55, %dma_wait3A_56] : memref<10240x16xf32, #tpu.memory_space<vmem_shared>> -> memref<10240x16xf32, #tpu.memory_space<vmem_shared>>
        tpu.wait_indirect_dma semaphore(%run_scoped3A_51 : memref<!tpu.dma_semaphore, #tpu.memory_space<semaphore_mem>>) src(%arg8 : memref<128x16xf32, #tpu.memory_space<vmem>>) dst(%dma_wait3A_57 : memref<10240x16xf32, #tpu.memory_space<vmem_shared>>)
        tpu.yield
      }) : () -> ()
    }
    %scan3A_39 = arith.constant 79 : i32
    %barrier3A_40 = arith.constant 0 : index
    tpu.barrier barrier_id(%barrier3A_40)
    %mul3A_41 = arith.constant 640 : i32
    %mul3A_42 = arith.muli %arg1, %mul3A_41 : i32
    %mul3A_43 = arith.constant 10240 : i32
    %mul3A_44 = arith.muli %arg0, %mul3A_43 : i32
    %mul3A_45 = arith.constant 640 : i32
    %mul3A_46 = arith.muli %arg1, %mul3A_45 : i32
    %add3A_47 = arith.addi %mul3A_44, %mul3A_46 : i32
    "tpu.region"() ({
      %run_scoped3A_48 = tpu.sem_alloc : memref<!tpu.dma_semaphore, #tpu.memory_space<semaphore_mem>>
      %dma_start3A = arith.constant 0 : i32
      %dma_start3A_49 = tpu.memref_slice %arg5[%add3A_47, %dma_start3A] : memref<20480x16xf32, #tpu.memory_space<hbm>> -> memref<640x16xf32, #tpu.memory_space<hbm>>
      %dma_start3A_50 = arith.constant 0 : i32
      %dma_start3A_51 = tpu.memref_slice %arg9[%mul3A_42, %dma_start3A_50] : memref<10240x16xf32, #tpu.memory_space<vmem_shared>> -> memref<640x16xf32, #tpu.memory_space<vmem_shared>>
      tpu.enqueue_dma source(%dma_start3A_51 : memref<640x16xf32, #tpu.memory_space<vmem_shared>>) target(%dma_start3A_49 : memref<640x16xf32, #tpu.memory_space<hbm>>) target_semaphore(%run_scoped3A_48 : memref<!tpu.dma_semaphore, #tpu.memory_space<semaphore_mem>>)
      %dma_wait3A = arith.constant 0 : i32
      %dma_wait3A_52 = tpu.memref_slice %arg5[%add3A_47, %dma_wait3A] : memref<20480x16xf32, #tpu.memory_space<hbm>> -> memref<640x16xf32, #tpu.memory_space<hbm>>
      %dma_wait3A_53 = arith.constant 0 : i32
      %dma_wait3A_54 = tpu.memref_slice %arg9[%mul3A_42, %dma_wait3A_53] : memref<10240x16xf32, #tpu.memory_space<vmem_shared>> -> memref<640x16xf32, #tpu.memory_space<vmem_shared>>
      tpu.wait_dma2 semaphore(%run_scoped3A_48 : memref<!tpu.dma_semaphore, #tpu.memory_space<semaphore_mem>>) src(%dma_wait3A_54 : memref<640x16xf32, #tpu.memory_space<vmem_shared>>) dst(%dma_wait3A_52 : memref<640x16xf32, #tpu.memory_space<hbm>>)
      tpu.yield
    }) : () -> ()
    return
  }
}

#map = affine_map<(d0, d1) -> (0, 0)>
module attributes {stable_mosaic.version = 14 : i64} {
  func.func @scat(%arg0: i32, %arg1: i32, %arg2: memref<2x320000xi32, #tpu.memory_space<hbm>>, %arg3: memref<10000x48xf32, #tpu.memory_space<hbm>>, %arg4: memref<10240x48xf32, #tpu.memory_space<hbm>>, %arg5: memref<20480x48xf32, #tpu.memory_space<hbm>>, %arg6: memref<10112xi32, #tpu.memory_space<vmem>>, %arg7: memref<10112xi32, #tpu.memory_space<vmem>>, %arg8: memref<128x48xf32, #tpu.memory_space<vmem>>, %arg9: memref<10240x48xf32, #tpu.memory_space<vmem_shared>>, %arg10: memref<10000x48xf32, #tpu.memory_space<vmem_shared>>, %arg11: memref<!tpu.dma_semaphore, #tpu.memory_space<semaphore_mem>>) attributes {dimension_semantics = [#tpu.dimension_semantics<core_parallel>, #tpu.dimension_semantics<subcore_parallel>], iteration_bounds = array<i64: 2, 16>, scalar_prefetch = 0 : i64, scratch_operands = 6 : i64, tpu.core_type = #tpu.core_type<sc_vector_subcore>, window_params = [{transform_indices = #map}, {transform_indices = #map}, {transform_indices = #map}, {transform_indices = #map}]} {
    %mul3A = arith.constant 2 : i32
    %mul3A_0 = arith.muli %arg1, %mul3A : i32
    %add3A = arith.addi %mul3A_0, %arg0 : i32
    %mul3A_1 = arith.constant 10000 : i32
    %mul3A_2 = arith.muli %add3A, %mul3A_1 : i32
    %run_scoped3A = arith.constant 1 : i32
    "tpu.region"() ({
      %run_scoped3A_81 = tpu.sem_alloc : memref<!tpu.dma_semaphore, #tpu.memory_space<semaphore_mem>>
      %dma_start3A = arith.constant 0 : i32
      %dma_start3A_82 = tpu.memref_slice %arg7[%dma_start3A] : memref<10112xi32, #tpu.memory_space<vmem>> -> memref<10000xi32, #tpu.memory_space<vmem>>
      %dma_start3A_83 = tpu.memref_slice %arg2[%run_scoped3A, %mul3A_2] : memref<2x320000xi32, #tpu.memory_space<hbm>> -> memref<1x10000xi32, #tpu.memory_space<hbm>>
      %dma_start3A_84 = tpu.memref_squeeze %dma_start3A_83 : memref<1x10000xi32, #tpu.memory_space<hbm>> -> memref<10000xi32, #tpu.memory_space<hbm>>
      %dma_start3A_85 = arith.constant 0 : i32
      %dma_start3A_86 = tpu.memref_slice %arg7[%dma_start3A_85] : memref<10112xi32, #tpu.memory_space<vmem>> -> memref<10000xi32, #tpu.memory_space<vmem>>
      %dma_start3A_87 = tpu.memref_slice %arg2[%run_scoped3A, %mul3A_2] : memref<2x320000xi32, #tpu.memory_space<hbm>> -> memref<1x10000xi32, #tpu.memory_space<hbm>>
      %dma_start3A_88 = tpu.memref_squeeze %dma_start3A_87 : memref<1x10000xi32, #tpu.memory_space<hbm>> -> memref<10000xi32, #tpu.memory_space<hbm>>
      tpu.enqueue_dma source(%dma_start3A_88 : memref<10000xi32, #tpu.memory_space<hbm>>) target(%dma_start3A_86 : memref<10000xi32, #tpu.memory_space<vmem>>) target_semaphore(%run_scoped3A_81 : memref<!tpu.dma_semaphore, #tpu.memory_space<semaphore_mem>>)
      %dma_wait3A = arith.constant 0 : i32
      %dma_wait3A_89 = tpu.memref_slice %arg7[%dma_wait3A] : memref<10112xi32, #tpu.memory_space<vmem>> -> memref<10000xi32, #tpu.memory_space<vmem>>
      %dma_wait3A_90 = tpu.memref_slice %arg2[%run_scoped3A, %mul3A_2] : memref<2x320000xi32, #tpu.memory_space<hbm>> -> memref<1x10000xi32, #tpu.memory_space<hbm>>
      %dma_wait3A_91 = tpu.memref_squeeze %dma_wait3A_90 : memref<1x10000xi32, #tpu.memory_space<hbm>> -> memref<10000xi32, #tpu.memory_space<hbm>>
      %dma_wait3A_92 = arith.constant 0 : i32
      %dma_wait3A_93 = tpu.memref_slice %arg7[%dma_wait3A_92] : memref<10112xi32, #tpu.memory_space<vmem>> -> memref<10000xi32, #tpu.memory_space<vmem>>
      %dma_wait3A_94 = tpu.memref_slice %arg2[%run_scoped3A, %mul3A_2] : memref<2x320000xi32, #tpu.memory_space<hbm>> -> memref<1x10000xi32, #tpu.memory_space<hbm>>
      %dma_wait3A_95 = tpu.memref_squeeze %dma_wait3A_94 : memref<1x10000xi32, #tpu.memory_space<hbm>> -> memref<10000xi32, #tpu.memory_space<hbm>>
      tpu.wait_dma2 semaphore(%run_scoped3A_81 : memref<!tpu.dma_semaphore, #tpu.memory_space<semaphore_mem>>) src(%dma_wait3A_95 : memref<10000xi32, #tpu.memory_space<hbm>>) dst(%dma_wait3A_93 : memref<10000xi32, #tpu.memory_space<vmem>>)
      tpu.yield
    }) : () -> ()
    %broadcast_in_dim3A = arith.constant 10000 : i32
    %broadcast_in_dim3A_3 = vector.broadcast %broadcast_in_dim3A : i32 to vector<16xi32>
    %swap3A = arith.constant 10000 : index
    %swap3A_4 = tpu.vector_load %arg7[%swap3A] {strides = array<i32>} : memref<10112xi32, #tpu.memory_space<vmem>>, vector<16xi32>,
    %swap3A_5 = vector.shape_cast %swap3A_4 : vector<16xi32> to vector<16xi32>
    %swap3A_6 = vector.shape_cast %broadcast_in_dim3A_3 : vector<16xi32> to vector<16xi32>
    tpu.vector_store %arg7[%swap3A], %swap3A_6 {strides = array<i32>} : memref<10112xi32, #tpu.memory_space<vmem>>, vector<16xi32>,
    %swap3A_7 = arith.constant 10016 : index
    %swap3A_8 = tpu.vector_load %arg7[%swap3A_7] {strides = array<i32>} : memref<10112xi32, #tpu.memory_space<vmem>>, vector<16xi32>,
    %swap3A_9 = vector.shape_cast %swap3A_8 : vector<16xi32> to vector<16xi32>
    %swap3A_10 = vector.shape_cast %broadcast_in_dim3A_3 : vector<16xi32> to vector<16xi32>
    tpu.vector_store %arg7[%swap3A_7], %swap3A_10 {strides = array<i32>} : memref<10112xi32, #tpu.memory_space<vmem>>, vector<16xi32>,
    %swap3A_11 = arith.constant 10032 : index
    %swap3A_12 = tpu.vector_load %arg7[%swap3A_11] {strides = array<i32>} : memref<10112xi32, #tpu.memory_space<vmem>>, vector<16xi32>,
    %swap3A_13 = vector.shape_cast %swap3A_12 : vector<16xi32> to vector<16xi32>
    %swap3A_14 = vector.shape_cast %broadcast_in_dim3A_3 : vector<16xi32> to vector<16xi32>
    tpu.vector_store %arg7[%swap3A_11], %swap3A_14 {strides = array<i32>} : memref<10112xi32, #tpu.memory_space<vmem>>, vector<16xi32>,
    %swap3A_15 = arith.constant 10048 : index
    %swap3A_16 = tpu.vector_load %arg7[%swap3A_15] {strides = array<i32>} : memref<10112xi32, #tpu.memory_space<vmem>>, vector<16xi32>,
    %swap3A_17 = vector.shape_cast %swap3A_16 : vector<16xi32> to vector<16xi32>
    %swap3A_18 = vector.shape_cast %broadcast_in_dim3A_3 : vector<16xi32> to vector<16xi32>
    tpu.vector_store %arg7[%swap3A_15], %swap3A_18 {strides = array<i32>} : memref<10112xi32, #tpu.memory_space<vmem>>, vector<16xi32>,
    %swap3A_19 = arith.constant 10064 : index
    %swap3A_20 = tpu.vector_load %arg7[%swap3A_19] {strides = array<i32>} : memref<10112xi32, #tpu.memory_space<vmem>>, vector<16xi32>,
    %swap3A_21 = vector.shape_cast %swap3A_20 : vector<16xi32> to vector<16xi32>
    %swap3A_22 = vector.shape_cast %broadcast_in_dim3A_3 : vector<16xi32> to vector<16xi32>
    tpu.vector_store %arg7[%swap3A_19], %swap3A_22 {strides = array<i32>} : memref<10112xi32, #tpu.memory_space<vmem>>, vector<16xi32>,
    %swap3A_23 = arith.constant 10080 : index
    %swap3A_24 = tpu.vector_load %arg7[%swap3A_23] {strides = array<i32>} : memref<10112xi32, #tpu.memory_space<vmem>>, vector<16xi32>,
    %swap3A_25 = vector.shape_cast %swap3A_24 : vector<16xi32> to vector<16xi32>
    %swap3A_26 = vector.shape_cast %broadcast_in_dim3A_3 : vector<16xi32> to vector<16xi32>
    tpu.vector_store %arg7[%swap3A_23], %swap3A_26 {strides = array<i32>} : memref<10112xi32, #tpu.memory_space<vmem>>, vector<16xi32>,
    %swap3A_27 = arith.constant 10096 : index
    %swap3A_28 = tpu.vector_load %arg7[%swap3A_27] {strides = array<i32>} : memref<10112xi32, #tpu.memory_space<vmem>>, vector<16xi32>,
    %swap3A_29 = vector.shape_cast %swap3A_28 : vector<16xi32> to vector<16xi32>
    %swap3A_30 = vector.shape_cast %broadcast_in_dim3A_3 : vector<16xi32> to vector<16xi32>
    tpu.vector_store %arg7[%swap3A_27], %swap3A_30 {strides = array<i32>} : memref<10112xi32, #tpu.memory_space<vmem>>, vector<16xi32>,
    %run_scoped3A_31 = arith.constant 0 : i32
    "tpu.region"() ({
      %run_scoped3A_81 = tpu.sem_alloc : memref<!tpu.dma_semaphore, #tpu.memory_space<semaphore_mem>>
      %dma_start3A = arith.constant 0 : i32
      %dma_start3A_82 = tpu.memref_slice %arg6[%dma_start3A] : memref<10112xi32, #tpu.memory_space<vmem>> -> memref<10000xi32, #tpu.memory_space<vmem>>
      %dma_start3A_83 = tpu.memref_slice %arg2[%run_scoped3A_31, %mul3A_2] : memref<2x320000xi32, #tpu.memory_space<hbm>> -> memref<1x10000xi32, #tpu.memory_space<hbm>>
      %dma_start3A_84 = tpu.memref_squeeze %dma_start3A_83 : memref<1x10000xi32, #tpu.memory_space<hbm>> -> memref<10000xi32, #tpu.memory_space<hbm>>
      %dma_start3A_85 = arith.constant 0 : i32
      %dma_start3A_86 = tpu.memref_slice %arg6[%dma_start3A_85] : memref<10112xi32, #tpu.memory_space<vmem>> -> memref<10000xi32, #tpu.memory_space<vmem>>
      %dma_start3A_87 = tpu.memref_slice %arg2[%run_scoped3A_31, %mul3A_2] : memref<2x320000xi32, #tpu.memory_space<hbm>> -> memref<1x10000xi32, #tpu.memory_space<hbm>>
      %dma_start3A_88 = tpu.memref_squeeze %dma_start3A_87 : memref<1x10000xi32, #tpu.memory_space<hbm>> -> memref<10000xi32, #tpu.memory_space<hbm>>
      tpu.enqueue_dma source(%dma_start3A_88 : memref<10000xi32, #tpu.memory_space<hbm>>) target(%dma_start3A_86 : memref<10000xi32, #tpu.memory_space<vmem>>) target_semaphore(%run_scoped3A_81 : memref<!tpu.dma_semaphore, #tpu.memory_space<semaphore_mem>>)
      %dma_wait3A = arith.constant 0 : i32
      %dma_wait3A_89 = tpu.memref_slice %arg6[%dma_wait3A] : memref<10112xi32, #tpu.memory_space<vmem>> -> memref<10000xi32, #tpu.memory_space<vmem>>
      %dma_wait3A_90 = tpu.memref_slice %arg2[%run_scoped3A_31, %mul3A_2] : memref<2x320000xi32, #tpu.memory_space<hbm>> -> memref<1x10000xi32, #tpu.memory_space<hbm>>
      %dma_wait3A_91 = tpu.memref_squeeze %dma_wait3A_90 : memref<1x10000xi32, #tpu.memory_space<hbm>> -> memref<10000xi32, #tpu.memory_space<hbm>>
      %dma_wait3A_92 = arith.constant 0 : i32
      %dma_wait3A_93 = tpu.memref_slice %arg6[%dma_wait3A_92] : memref<10112xi32, #tpu.memory_space<vmem>> -> memref<10000xi32, #tpu.memory_space<vmem>>
      %dma_wait3A_94 = tpu.memref_slice %arg2[%run_scoped3A_31, %mul3A_2] : memref<2x320000xi32, #tpu.memory_space<hbm>> -> memref<1x10000xi32, #tpu.memory_space<hbm>>
      %dma_wait3A_95 = tpu.memref_squeeze %dma_wait3A_94 : memref<1x10000xi32, #tpu.memory_space<hbm>> -> memref<10000xi32, #tpu.memory_space<hbm>>
      tpu.wait_dma2 semaphore(%run_scoped3A_81 : memref<!tpu.dma_semaphore, #tpu.memory_space<semaphore_mem>>) src(%dma_wait3A_95 : memref<10000xi32, #tpu.memory_space<hbm>>) dst(%dma_wait3A_93 : memref<10000xi32, #tpu.memory_space<vmem>>)
      tpu.yield
    }) : () -> ()
    %broadcast_in_dim3A_32 = arith.constant 0 : i32
    %broadcast_in_dim3A_33 = vector.broadcast %broadcast_in_dim3A_32 : i32 to vector<16xi32>
    %swap3A_34 = arith.constant 10000 : index
    %swap3A_35 = tpu.vector_load %arg6[%swap3A_34] {strides = array<i32>} : memref<10112xi32, #tpu.memory_space<vmem>>, vector<16xi32>,
    %swap3A_36 = vector.shape_cast %swap3A_35 : vector<16xi32> to vector<16xi32>
    %swap3A_37 = vector.shape_cast %broadcast_in_dim3A_33 : vector<16xi32> to vector<16xi32>
    tpu.vector_store %arg6[%swap3A_34], %swap3A_37 {strides = array<i32>} : memref<10112xi32, #tpu.memory_space<vmem>>, vector<16xi32>,
    %swap3A_38 = arith.constant 10016 : index
    %swap3A_39 = tpu.vector_load %arg6[%swap3A_38] {strides = array<i32>} : memref<10112xi32, #tpu.memory_space<vmem>>, vector<16xi32>,
    %swap3A_40 = vector.shape_cast %swap3A_39 : vector<16xi32> to vector<16xi32>
    %swap3A_41 = vector.shape_cast %broadcast_in_dim3A_33 : vector<16xi32> to vector<16xi32>
    tpu.vector_store %arg6[%swap3A_38], %swap3A_41 {strides = array<i32>} : memref<10112xi32, #tpu.memory_space<vmem>>, vector<16xi32>,
    %swap3A_42 = arith.constant 10032 : index
    %swap3A_43 = tpu.vector_load %arg6[%swap3A_42] {strides = array<i32>} : memref<10112xi32, #tpu.memory_space<vmem>>, vector<16xi32>,
    %swap3A_44 = vector.shape_cast %swap3A_43 : vector<16xi32> to vector<16xi32>
    %swap3A_45 = vector.shape_cast %broadcast_in_dim3A_33 : vector<16xi32> to vector<16xi32>
    tpu.vector_store %arg6[%swap3A_42], %swap3A_45 {strides = array<i32>} : memref<10112xi32, #tpu.memory_space<vmem>>, vector<16xi32>,
    %swap3A_46 = arith.constant 10048 : index
    %swap3A_47 = tpu.vector_load %arg6[%swap3A_46] {strides = array<i32>} : memref<10112xi32, #tpu.memory_space<vmem>>, vector<16xi32>,
    %swap3A_48 = vector.shape_cast %swap3A_47 : vector<16xi32> to vector<16xi32>
    %swap3A_49 = vector.shape_cast %broadcast_in_dim3A_33 : vector<16xi32> to vector<16xi32>
    tpu.vector_store %arg6[%swap3A_46], %swap3A_49 {strides = array<i32>} : memref<10112xi32, #tpu.memory_space<vmem>>, vector<16xi32>,
    %swap3A_50 = arith.constant 10064 : index
    %swap3A_51 = tpu.vector_load %arg6[%swap3A_50] {strides = array<i32>} : memref<10112xi32, #tpu.memory_space<vmem>>, vector<16xi32>,
    %swap3A_52 = vector.shape_cast %swap3A_51 : vector<16xi32> to vector<16xi32>
    %swap3A_53 = vector.shape_cast %broadcast_in_dim3A_33 : vector<16xi32> to vector<16xi32>
    tpu.vector_store %arg6[%swap3A_50], %swap3A_53 {strides = array<i32>} : memref<10112xi32, #tpu.memory_space<vmem>>, vector<16xi32>,
    %swap3A_54 = arith.constant 10080 : index
    %swap3A_55 = tpu.vector_load %arg6[%swap3A_54] {strides = array<i32>} : memref<10112xi32, #tpu.memory_space<vmem>>, vector<16xi32>,
    %swap3A_56 = vector.shape_cast %swap3A_55 : vector<16xi32> to vector<16xi32>
    %swap3A_57 = vector.shape_cast %broadcast_in_dim3A_33 : vector<16xi32> to vector<16xi32>
    tpu.vector_store %arg6[%swap3A_54], %swap3A_57 {strides = array<i32>} : memref<10112xi32, #tpu.memory_space<vmem>>, vector<16xi32>,
    %swap3A_58 = arith.constant 10096 : index
    %swap3A_59 = tpu.vector_load %arg6[%swap3A_58] {strides = array<i32>} : memref<10112xi32, #tpu.memory_space<vmem>>, vector<16xi32>,
    %swap3A_60 = vector.shape_cast %swap3A_59 : vector<16xi32> to vector<16xi32>
    %swap3A_61 = vector.shape_cast %broadcast_in_dim3A_33 : vector<16xi32> to vector<16xi32>
    tpu.vector_store %arg6[%swap3A_58], %swap3A_61 {strides = array<i32>} : memref<10112xi32, #tpu.memory_space<vmem>>, vector<16xi32>,
    %lt3A = arith.constant 10 : i32
    %lt3A_62 = arith.cmpi slt, %arg1, %lt3A : i32
    %convert_element_type3A = arith.extui %lt3A_62 : i1 to i32
    %cond3A = arith.constant 0 : i32
    %cond3A_63 = arith.cmpi ne, %convert_element_type3A, %cond3A : i32
    scf.if %cond3A_63 {
      %mul3A_81 = arith.constant 1000 : i32
      %mul3A_82 = arith.muli %arg1, %mul3A_81 : i32
      %mul3A_83 = arith.constant 1000 : i32
      %mul3A_84 = arith.muli %arg1, %mul3A_83 : i32
      "tpu.region"() ({
        %run_scoped3A_85 = tpu.sem_alloc : memref<!tpu.dma_semaphore, #tpu.memory_space<semaphore_mem>>
        %dma_start3A = arith.constant 0 : i32
        %dma_start3A_86 = tpu.memref_slice %arg10[%mul3A_84, %dma_start3A] : memref<10000x48xf32, #tpu.memory_space<vmem_shared>> -> memref<1000x48xf32, #tpu.memory_space<vmem_shared>>
        %dma_start3A_87 = arith.constant 0 : i32
        %dma_start3A_88 = tpu.memref_slice %arg3[%mul3A_82, %dma_start3A_87] : memref<10000x48xf32, #tpu.memory_space<hbm>> -> memref<1000x48xf32, #tpu.memory_space<hbm>>
        tpu.enqueue_dma source(%dma_start3A_88 : memref<1000x48xf32, #tpu.memory_space<hbm>>) target(%dma_start3A_86 : memref<1000x48xf32, #tpu.memory_space<vmem_shared>>) target_semaphore(%run_scoped3A_85 : memref<!tpu.dma_semaphore, #tpu.memory_space<semaphore_mem>>)
        %dma_wait3A = arith.constant 0 : i32
        %dma_wait3A_89 = tpu.memref_slice %arg10[%mul3A_84, %dma_wait3A] : memref<10000x48xf32, #tpu.memory_space<vmem_shared>> -> memref<1000x48xf32, #tpu.memory_space<vmem_shared>>
        %dma_wait3A_90 = arith.constant 0 : i32
        %dma_wait3A_91 = tpu.memref_slice %arg3[%mul3A_82, %dma_wait3A_90] : memref<10000x48xf32, #tpu.memory_space<hbm>> -> memref<1000x48xf32, #tpu.memory_space<hbm>>
        tpu.wait_dma2 semaphore(%run_scoped3A_85 : memref<!tpu.dma_semaphore, #tpu.memory_space<semaphore_mem>>) src(%dma_wait3A_91 : memref<1000x48xf32, #tpu.memory_space<hbm>>) dst(%dma_wait3A_89 : memref<1000x48xf32, #tpu.memory_space<vmem_shared>>)
        tpu.yield
      }) : () -> ()
    } else {
    }
    %mul3A_64 = arith.constant 640 : i32
    %mul3A_65 = arith.muli %arg1, %mul3A_64 : i32
    %mul3A_66 = arith.constant 640 : i32
    %mul3A_67 = arith.muli %arg1, %mul3A_66 : i32
    "tpu.region"() ({
      %run_scoped3A_81 = tpu.sem_alloc : memref<!tpu.dma_semaphore, #tpu.memory_space<semaphore_mem>>
      %dma_start3A = arith.constant 0 : i32
      %dma_start3A_82 = tpu.memref_slice %arg9[%mul3A_67, %dma_start3A] : memref<10240x48xf32, #tpu.memory_space<vmem_shared>> -> memref<640x48xf32, #tpu.memory_space<vmem_shared>>
      %dma_start3A_83 = arith.constant 0 : i32
      %dma_start3A_84 = tpu.memref_slice %arg4[%mul3A_65, %dma_start3A_83] : memref<10240x48xf32, #tpu.memory_space<hbm>> -> memref<640x48xf32, #tpu.memory_space<hbm>>
      tpu.enqueue_dma source(%dma_start3A_84 : memref<640x48xf32, #tpu.memory_space<hbm>>) target(%dma_start3A_82 : memref<640x48xf32, #tpu.memory_space<vmem_shared>>) target_semaphore(%run_scoped3A_81 : memref<!tpu.dma_semaphore, #tpu.memory_space<semaphore_mem>>)
      %dma_wait3A = arith.constant 0 : i32
      %dma_wait3A_85 = tpu.memref_slice %arg9[%mul3A_67, %dma_wait3A] : memref<10240x48xf32, #tpu.memory_space<vmem_shared>> -> memref<640x48xf32, #tpu.memory_space<vmem_shared>>
      %dma_wait3A_86 = arith.constant 0 : i32
      %dma_wait3A_87 = tpu.memref_slice %arg4[%mul3A_65, %dma_wait3A_86] : memref<10240x48xf32, #tpu.memory_space<hbm>> -> memref<640x48xf32, #tpu.memory_space<hbm>>
      tpu.wait_dma2 semaphore(%run_scoped3A_81 : memref<!tpu.dma_semaphore, #tpu.memory_space<semaphore_mem>>) src(%dma_wait3A_87 : memref<640x48xf32, #tpu.memory_space<hbm>>) dst(%dma_wait3A_85 : memref<640x48xf32, #tpu.memory_space<vmem_shared>>)
      tpu.yield
    }) : () -> ()
    %barrier3A = arith.constant 0 : index
    tpu.barrier barrier_id(%barrier3A)
    %scan3A = arith.constant 0 : i32
    %scan3A_68 = arith.constant 0 : i32
    %scan3A_69 = arith.constant 79 : i32
    %scan3A_70 = arith.addi %scan3A_68, %scan3A_69 : i32
    %scan3A_71 = arith.constant 1 : i32
    scf.for %scan3A_81 = %scan3A_68 to %scan3A_70 step %scan3A_71  : i32 {
      %mul3A_82 = arith.constant 128 : i32
      %mul3A_83 = arith.muli %scan3A_81, %mul3A_82 : i32
      %dma_start3A = tpu.memref_slice %arg6[%mul3A_83] : memref<10112xi32, #tpu.memory_space<vmem>> -> memref<128xi32, #tpu.memory_space<vmem>>
      %dma_start3A_84 = arith.constant 0 : i32
      %dma_start3A_85 = arith.constant 0 : i32
      %dma_start3A_86 = tpu.memref_slice %arg10[%dma_start3A_84, %dma_start3A_85] : memref<10000x48xf32, #tpu.memory_space<vmem_shared>> -> memref<10000x48xf32, #tpu.memory_space<vmem_shared>>
      tpu.enqueue_indirect_dma source(%dma_start3A_86 : memref<10000x48xf32, #tpu.memory_space<vmem_shared>>) target(%arg8 : memref<128x48xf32, #tpu.memory_space<vmem>>) offsets(%dma_start3A : memref<128xi32, #tpu.memory_space<vmem>>) semaphore(%arg11 : memref<!tpu.dma_semaphore, #tpu.memory_space<semaphore_mem>>)
      %dma_wait3A = tpu.memref_slice %arg6[%mul3A_83] : memref<10112xi32, #tpu.memory_space<vmem>> -> memref<128xi32, #tpu.memory_space<vmem>>
      %dma_wait3A_87 = arith.constant 0 : i32
      %dma_wait3A_88 = arith.constant 0 : i32
      %dma_wait3A_89 = tpu.memref_slice %arg10[%dma_wait3A_87, %dma_wait3A_88] : memref<10000x48xf32, #tpu.memory_space<vmem_shared>> -> memref<10000x48xf32, #tpu.memory_space<vmem_shared>>
      tpu.wait_indirect_dma semaphore(%arg11 : memref<!tpu.dma_semaphore, #tpu.memory_space<semaphore_mem>>) src(%dma_wait3A_89 : memref<10000x48xf32, #tpu.memory_space<vmem_shared>>) dst(%arg8 : memref<128x48xf32, #tpu.memory_space<vmem>>)
      %mul3A_90 = arith.constant 128 : i32
      %mul3A_91 = arith.muli %scan3A_81, %mul3A_90 : i32
      "tpu.region"() ({
        %run_scoped3A_92 = tpu.sem_alloc : memref<!tpu.dma_semaphore, #tpu.memory_space<semaphore_mem>>
        %dma_start3A_93 = tpu.memref_slice %arg7[%mul3A_91] : memref<10112xi32, #tpu.memory_space<vmem>> -> memref<128xi32, #tpu.memory_space<vmem>>
        %dma_start3A_94 = arith.constant 0 : i32
        %dma_start3A_95 = arith.constant 0 : i32
        %dma_start3A_96 = tpu.memref_slice %arg9[%dma_start3A_94, %dma_start3A_95] : memref<10240x48xf32, #tpu.memory_space<vmem_shared>> -> memref<10240x48xf32, #tpu.memory_space<vmem_shared>>
        tpu.enqueue_indirect_dma source(%arg8 : memref<128x48xf32, #tpu.memory_space<vmem>>) target(%dma_start3A_96 : memref<10240x48xf32, #tpu.memory_space<vmem_shared>>) offsets(%dma_start3A_93 : memref<128xi32, #tpu.memory_space<vmem>>) semaphore(%run_scoped3A_92 : memref<!tpu.dma_semaphore, #tpu.memory_space<semaphore_mem>>) {add = true}
        %dma_wait3A_97 = tpu.memref_slice %arg7[%mul3A_91] : memref<10112xi32, #tpu.memory_space<vmem>> -> memref<128xi32, #tpu.memory_space<vmem>>
        %dma_wait3A_98 = arith.constant 0 : i32
        %dma_wait3A_99 = arith.constant 0 : i32
        %dma_wait3A_100 = tpu.memref_slice %arg9[%dma_wait3A_98, %dma_wait3A_99] : memref<10240x48xf32, #tpu.memory_space<vmem_shared>> -> memref<10240x48xf32, #tpu.memory_space<vmem_shared>>
        tpu.wait_indirect_dma semaphore(%run_scoped3A_92 : memref<!tpu.dma_semaphore, #tpu.memory_space<semaphore_mem>>) src(%arg8 : memref<128x48xf32, #tpu.memory_space<vmem>>) dst(%dma_wait3A_100 : memref<10240x48xf32, #tpu.memory_space<vmem_shared>>)
        tpu.yield
      }) : () -> ()
    }
    %scan3A_72 = arith.constant 79 : i32
    %barrier3A_73 = arith.constant 0 : index
    tpu.barrier barrier_id(%barrier3A_73)
    %mul3A_74 = arith.constant 640 : i32
    %mul3A_75 = arith.muli %arg1, %mul3A_74 : i32
    %mul3A_76 = arith.constant 10240 : i32
    %mul3A_77 = arith.muli %arg0, %mul3A_76 : i32
    %mul3A_78 = arith.constant 640 : i32
    %mul3A_79 = arith.muli %arg1, %mul3A_78 : i32
    %add3A_80 = arith.addi %mul3A_77, %mul3A_79 : i32
    "tpu.region"() ({
      %run_scoped3A_81 = tpu.sem_alloc : memref<!tpu.dma_semaphore, #tpu.memory_space<semaphore_mem>>
      %dma_start3A = arith.constant 0 : i32
      %dma_start3A_82 = tpu.memref_slice %arg5[%add3A_80, %dma_start3A] : memref<20480x48xf32, #tpu.memory_space<hbm>> -> memref<640x48xf32, #tpu.memory_space<hbm>>
      %dma_start3A_83 = arith.constant 0 : i32
      %dma_start3A_84 = tpu.memref_slice %arg9[%mul3A_75, %dma_start3A_83] : memref<10240x48xf32, #tpu.memory_space<vmem_shared>> -> memref<640x48xf32, #tpu.memory_space<vmem_shared>>
      tpu.enqueue_dma source(%dma_start3A_84 : memref<640x48xf32, #tpu.memory_space<vmem_shared>>) target(%dma_start3A_82 : memref<640x48xf32, #tpu.memory_space<hbm>>) target_semaphore(%run_scoped3A_81 : memref<!tpu.dma_semaphore, #tpu.memory_space<semaphore_mem>>)
      %dma_wait3A = arith.constant 0 : i32
      %dma_wait3A_85 = tpu.memref_slice %arg5[%add3A_80, %dma_wait3A] : memref<20480x48xf32, #tpu.memory_space<hbm>> -> memref<640x48xf32, #tpu.memory_space<hbm>>
      %dma_wait3A_86 = arith.constant 0 : i32
      %dma_wait3A_87 = tpu.memref_slice %arg9[%mul3A_75, %dma_wait3A_86] : memref<10240x48xf32, #tpu.memory_space<vmem_shared>> -> memref<640x48xf32, #tpu.memory_space<vmem_shared>>
      tpu.wait_dma2 semaphore(%run_scoped3A_81 : memref<!tpu.dma_semaphore, #tpu.memory_space<semaphore_mem>>) src(%dma_wait3A_87 : memref<640x48xf32, #tpu.memory_space<vmem_shared>>) dst(%dma_wait3A_85 : memref<640x48xf32, #tpu.memory_space<hbm>>)
      tpu.yield
    }) : () -> ()
    return
  }
}

module attributes {stable_mosaic.version = 14 : i64} {
  func.func @_tc2_body(%arg0: i32, %arg1: memref<1x5000x16xf32, #tpu.memory_space<vmem>>, %arg2: memref<1x5000x16xf32, #tpu.memory_space<vmem>>, %arg3: memref<5000x64xf32, #tpu.memory_space<vmem>>, %arg4: memref<5000x64xf32, #tpu.memory_space<vmem>>) attributes {dimension_semantics = [#tpu.dimension_semantics<arbitrary>], iteration_bounds = array<i64: 2>, scalar_prefetch = 0 : i64, scratch_operands = 0 : i64, tpu.core_type = #tpu.core_type<tc>, window_params = [{transform_indices = @transform_0, window_bounds = array<i64: 1, 5000, 16>}, {transform_indices = @transform_1, window_bounds = array<i64: 1, 5000, 16>}, {transform_indices = @transform_2, window_bounds = array<i64: 5000, 64>}, {transform_indices = @transform_3, window_bounds = array<i64: 5000, 64>}]} {
    %get3A = arith.constant 0 : index
    %get3A_0 = arith.constant 0 : index
    %get3A_1 = vector.load %arg3[%get3A, %get3A_0] : memref<5000x64xf32, #tpu.memory_space<vmem>>, vector<5000x64xf32>
    %get3A_2 = arith.constant 0 : index
    %get3A_3 = arith.constant 0 : index
    %get3A_4 = arith.constant 0 : index
    %get3A_5 = vector.load %arg1[%get3A_2, %get3A_3, %get3A_4] : memref<1x5000x16xf32, #tpu.memory_space<vmem>>, vector<1x5000x16xf32>
    %get3A_6 = vector.shape_cast %get3A_5 : vector<1x5000x16xf32> to vector<5000x16xf32>
    %slice3A = vector.extract_strided_slice %get3A_6 {offsets = [0, 0], sizes = [5000, 1], strides = [1, 1]} : vector<5000x16xf32> to vector<5000x1xf32>
    %get3A_7 = arith.constant 0 : index
    %get3A_8 = arith.constant 0 : index
    %get3A_9 = arith.constant 0 : index
    %get3A_10 = vector.load %arg2[%get3A_7, %get3A_8, %get3A_9] : memref<1x5000x16xf32, #tpu.memory_space<vmem>>, vector<1x5000x16xf32>
    %get3A_11 = vector.shape_cast %get3A_10 : vector<1x5000x16xf32> to vector<5000x16xf32>
    %slice3A_12 = vector.extract_strided_slice %get3A_11 {offsets = [0, 0], sizes = [5000, 1], strides = [1, 1]} : vector<5000x16xf32> to vector<5000x1xf32>
    %add3A = arith.addf %slice3A, %slice3A_12 : vector<5000x1xf32>
    %add3A_13 = arith.constant 1.000000e+00 : f32
    %add3A_14 = vector.broadcast %add3A_13 : f32 to vector<5000x1xf32>
    %add3A_15 = arith.addf %add3A, %add3A_14 : vector<5000x1xf32>
    %rsqrt3A = math.rsqrt %add3A_15 : vector<5000x1xf32>
    %mul3A = vector.broadcast %rsqrt3A : vector<5000x1xf32> to vector<5000x64xf32>
    %mul3A_16 = arith.mulf %get3A_1, %mul3A : vector<5000x64xf32>
    %swap3A = arith.constant 0 : index
    %swap3A_17 = arith.constant 0 : index
    %swap3A_18 = vector.load %arg4[%swap3A, %swap3A_17] : memref<5000x64xf32, #tpu.memory_space<vmem>>, vector<5000x64xf32>
    tpu.vector_store %arg4[%swap3A, %swap3A_17], %mul3A_16 {strides = array<i32>} : memref<5000x64xf32, #tpu.memory_space<vmem>>, vector<5000x64xf32>,
    return
  }
  func.func @transform_0(%arg0: i32) -> (i32, i32, i32) {
    %c0_i32 = arith.constant 0 : i32
    %c0_i32_0 = arith.constant 0 : i32
    %c0_i32_1 = arith.constant 0 : i32
    return %c0_i32, %arg0, %c0_i32_0 : i32, i32, i32
  }
  func.func @transform_1(%arg0: i32) -> (i32, i32, i32) {
    %c1_i32 = arith.constant 1 : i32
    %c0_i32 = arith.constant 0 : i32
    %c0_i32_0 = arith.constant 0 : i32
    return %c1_i32, %arg0, %c0_i32 : i32, i32, i32
  }
  func.func @transform_2(%arg0: i32) -> (i32, i32) {
    %c0_i32 = arith.constant 0 : i32
    %c0_i32_0 = arith.constant 0 : i32
    return %arg0, %c0_i32 : i32, i32
  }
  func.func @transform_3(%arg0: i32) -> (i32, i32) {
    %c0_i32 = arith.constant 0 : i32
    %c0_i32_0 = arith.constant 0 : i32
    return %arg0, %c0_i32 : i32, i32
  }
}

module attributes {stable_mosaic.version = 14 : i64} {
  func.func @_tc1_body(%arg0: i32, %arg1: memref<5000x128xf32, #tpu.memory_space<vmem>>, %arg2: memref<128x16xf32, #tpu.memory_space<vmem>>, %arg3: memref<1x16xf32, #tpu.memory_space<vmem>>, %arg4: memref<16x16xf32, #tpu.memory_space<vmem>>, %arg5: memref<1x16xf32, #tpu.memory_space<vmem>>, %arg6: memref<16x64xf32, #tpu.memory_space<vmem>>, %arg7: memref<5000x64xf32, #tpu.memory_space<vmem>>) attributes {dimension_semantics = [#tpu.dimension_semantics<arbitrary>], iteration_bounds = array<i64: 2>, scalar_prefetch = 0 : i64, scratch_operands = 0 : i64, tpu.core_type = #tpu.core_type<tc>, window_params = [{transform_indices = @transform_0, window_bounds = array<i64: 5000, 128>}, {pipeline_mode = #tpu.pipeline_mode<synchronous>, transform_indices = @transform_1, window_bounds = array<i64: 128, 16>}, {pipeline_mode = #tpu.pipeline_mode<synchronous>, transform_indices = @transform_2, window_bounds = array<i64: 1, 16>}, {pipeline_mode = #tpu.pipeline_mode<synchronous>, transform_indices = @transform_3, window_bounds = array<i64: 16, 16>}, {pipeline_mode = #tpu.pipeline_mode<synchronous>, transform_indices = @transform_4, window_bounds = array<i64: 1, 16>}, {pipeline_mode = #tpu.pipeline_mode<synchronous>, transform_indices = @transform_5, window_bounds = array<i64: 16, 64>}, {transform_indices = @transform_6, window_bounds = array<i64: 5000, 64>}]} {
    %get3A = arith.constant 0 : index
    %get3A_0 = arith.constant 0 : index
    %get3A_1 = vector.load %arg1[%get3A, %get3A_0] : memref<5000x128xf32, #tpu.memory_space<vmem>>, vector<5000x128xf32>
    %get3A_2 = arith.constant 0 : index
    %get3A_3 = arith.constant 0 : index
    %get3A_4 = vector.load %arg2[%get3A_2, %get3A_3] : memref<128x16xf32, #tpu.memory_space<vmem>>, vector<128x16xf32>
    %dot_general3A = arith.constant dense<0.000000e+00> : vector<5000x16xf32>
    %dot_general3A_5 = tpu.matmul %get3A_1, %get3A_4, %dot_general3A {dimension_numbers = #tpu.dot_dimension_numbers<[1], [0], [0], [1], [0, 0, 1, 1], [], []>, transpose_lhs_hint = false} : vector<5000x128xf32>, vector<128x16xf32>, vector<5000x16xf32> -> vector<5000x16xf32>
    %get3A_6 = arith.constant 0 : index
    %get3A_7 = arith.constant 0 : index
    %get3A_8 = vector.load %arg3[%get3A_6, %get3A_7] : memref<1x16xf32, #tpu.memory_space<vmem>>, vector<1x16xf32>
    %add3A = vector.broadcast %get3A_8 : vector<1x16xf32> to vector<5000x16xf32>
    %add3A_9 = arith.addf %dot_general3A_5, %add3A : vector<5000x16xf32>
    %max3A = arith.constant 0.000000e+00 : f32
    %max3A_10 = vector.broadcast %max3A : f32 to vector<5000x16xf32>
    %max3A_11 = arith.maximumf %add3A_9, %max3A_10 : vector<5000x16xf32>
    %get3A_12 = arith.constant 0 : index
    %get3A_13 = arith.constant 0 : index
    %get3A_14 = vector.load %arg4[%get3A_12, %get3A_13] : memref<16x16xf32, #tpu.memory_space<vmem>>, vector<16x16xf32>
    %dot_general3A_15 = arith.constant dense<0.000000e+00> : vector<5000x16xf32>
    %dot_general3A_16 = tpu.matmul %max3A_11, %get3A_14, %dot_general3A_15 {dimension_numbers = #tpu.dot_dimension_numbers<[1], [0], [0], [1], [0, 0, 1, 1], [], []>, transpose_lhs_hint = false} : vector<5000x16xf32>, vector<16x16xf32>, vector<5000x16xf32> -> vector<5000x16xf32>
    %get3A_17 = arith.constant 0 : index
    %get3A_18 = arith.constant 0 : index
    %get3A_19 = vector.load %arg5[%get3A_17, %get3A_18] : memref<1x16xf32, #tpu.memory_space<vmem>>, vector<1x16xf32>
    %add3A_20 = vector.broadcast %get3A_19 : vector<1x16xf32> to vector<5000x16xf32>
    %add3A_21 = arith.addf %dot_general3A_16, %add3A_20 : vector<5000x16xf32>
    %max3A_22 = arith.constant 0.000000e+00 : f32
    %max3A_23 = vector.broadcast %max3A_22 : f32 to vector<5000x16xf32>
    %max3A_24 = arith.maximumf %add3A_21, %max3A_23 : vector<5000x16xf32>
    %get3A_25 = arith.constant 0 : index
    %get3A_26 = arith.constant 0 : index
    %get3A_27 = vector.load %arg6[%get3A_25, %get3A_26] : memref<16x64xf32, #tpu.memory_space<vmem>>, vector<16x64xf32>
    %dot_general3A_28 = arith.constant dense<0.000000e+00> : vector<5000x64xf32>
    %dot_general3A_29 = tpu.matmul %max3A_24, %get3A_27, %dot_general3A_28 {dimension_numbers = #tpu.dot_dimension_numbers<[1], [0], [0], [1], [0, 0, 1, 1], [], []>, transpose_lhs_hint = false} : vector<5000x16xf32>, vector<16x64xf32>, vector<5000x64xf32> -> vector<5000x64xf32>
    %swap3A = arith.constant 0 : index
    %swap3A_30 = arith.constant 0 : index
    %swap3A_31 = vector.load %arg7[%swap3A, %swap3A_30] : memref<5000x64xf32, #tpu.memory_space<vmem>>, vector<5000x64xf32>
    tpu.vector_store %arg7[%swap3A, %swap3A_30], %dot_general3A_29 {strides = array<i32>} : memref<5000x64xf32, #tpu.memory_space<vmem>>, vector<5000x64xf32>,
    return
  }
  func.func @transform_0(%arg0: i32) -> (i32, i32) {
    %c0_i32 = arith.constant 0 : i32
    %c0_i32_0 = arith.constant 0 : i32
    return %arg0, %c0_i32 : i32, i32
  }
  func.func @transform_1(%arg0: i32) -> (i32, i32) {
    %c0_i32 = arith.constant 0 : i32
    %c0_i32_0 = arith.constant 0 : i32
    %c0_i32_1 = arith.constant 0 : i32
    return %c0_i32, %c0_i32_0 : i32, i32
  }
  func.func @transform_2(%arg0: i32) -> (i32, i32) {
    %c0_i32 = arith.constant 0 : i32
    %c0_i32_0 = arith.constant 0 : i32
    %c0_i32_1 = arith.constant 0 : i32
    return %c0_i32, %c0_i32_0 : i32, i32
  }
  func.func @transform_3(%arg0: i32) -> (i32, i32) {
    %c0_i32 = arith.constant 0 : i32
    %c0_i32_0 = arith.constant 0 : i32
    %c0_i32_1 = arith.constant 0 : i32
    return %c0_i32, %c0_i32_0 : i32, i32
  }
  func.func @transform_4(%arg0: i32) -> (i32, i32) {
    %c0_i32 = arith.constant 0 : i32
    %c0_i32_0 = arith.constant 0 : i32
    %c0_i32_1 = arith.constant 0 : i32
    return %c0_i32, %c0_i32_0 : i32, i32
  }
  func.func @transform_5(%arg0: i32) -> (i32, i32) {
    %c0_i32 = arith.constant 0 : i32
    %c0_i32_0 = arith.constant 0 : i32
    %c0_i32_1 = arith.constant 0 : i32
    return %c0_i32, %c0_i32_0 : i32, i32
  }
  func.func @transform_6(%arg0: i32) -> (i32, i32) {
    %c0_i32 = arith.constant 0 : i32
    %c0_i32_0 = arith.constant 0 : i32
    return %arg0, %c0_i32 : i32, i32
  }
}

module attributes {stable_mosaic.version = 14 : i64} {
  func.func @_tc3_body(%arg0: i32, %arg1: memref<1x5000x16xf32, #tpu.memory_space<vmem>>, %arg2: memref<1x5000x16xf32, #tpu.memory_space<vmem>>, %arg3: memref<1x5000x64xf32, #tpu.memory_space<vmem>>, %arg4: memref<1x5000x64xf32, #tpu.memory_space<vmem>>, %arg5: memref<5000x64xf32, #tpu.memory_space<vmem>>, %arg6: memref<1x64xf32, #tpu.memory_space<vmem>>, %arg7: memref<64x48xf32, #tpu.memory_space<vmem>>, %arg8: memref<5000x48xf32, #tpu.memory_space<vmem>>) attributes {dimension_semantics = [#tpu.dimension_semantics<arbitrary>], iteration_bounds = array<i64: 2>, scalar_prefetch = 0 : i64, scratch_operands = 0 : i64, tpu.core_type = #tpu.core_type<tc>, window_params = [{transform_indices = @transform_0, window_bounds = array<i64: 1, 5000, 16>}, {transform_indices = @transform_1, window_bounds = array<i64: 1, 5000, 16>}, {transform_indices = @transform_2, window_bounds = array<i64: 1, 5000, 64>}, {transform_indices = @transform_3, window_bounds = array<i64: 1, 5000, 64>}, {transform_indices = @transform_4, window_bounds = array<i64: 5000, 64>}, {pipeline_mode = #tpu.pipeline_mode<synchronous>, transform_indices = @transform_5, window_bounds = array<i64: 1, 64>}, {pipeline_mode = #tpu.pipeline_mode<synchronous>, transform_indices = @transform_6, window_bounds = array<i64: 64, 48>}, {transform_indices = @transform_7, window_bounds = array<i64: 5000, 48>}]} {
    %get3A = arith.constant 0 : index
    %get3A_0 = arith.constant 0 : index
    %get3A_1 = arith.constant 0 : index
    %get3A_2 = vector.load %arg1[%get3A, %get3A_0, %get3A_1] : memref<1x5000x16xf32, #tpu.memory_space<vmem>>, vector<1x5000x16xf32>
    %get3A_3 = vector.shape_cast %get3A_2 : vector<1x5000x16xf32> to vector<5000x16xf32>
    %slice3A = vector.extract_strided_slice %get3A_3 {offsets = [0, 0], sizes = [5000, 1], strides = [1, 1]} : vector<5000x16xf32> to vector<5000x1xf32>
    %get3A_4 = arith.constant 0 : index
    %get3A_5 = arith.constant 0 : index
    %get3A_6 = arith.constant 0 : index
    %get3A_7 = vector.load %arg2[%get3A_4, %get3A_5, %get3A_6] : memref<1x5000x16xf32, #tpu.memory_space<vmem>>, vector<1x5000x16xf32>
    %get3A_8 = vector.shape_cast %get3A_7 : vector<1x5000x16xf32> to vector<5000x16xf32>
    %slice3A_9 = vector.extract_strided_slice %get3A_8 {offsets = [0, 0], sizes = [5000, 1], strides = [1, 1]} : vector<5000x16xf32> to vector<5000x1xf32>
    %add3A = arith.addf %slice3A, %slice3A_9 : vector<5000x1xf32>
    %add3A_10 = arith.constant 1.000000e+00 : f32
    %add3A_11 = vector.broadcast %add3A_10 : f32 to vector<5000x1xf32>
    %add3A_12 = arith.addf %add3A, %add3A_11 : vector<5000x1xf32>
    %rsqrt3A = math.rsqrt %add3A_12 : vector<5000x1xf32>
    %get3A_13 = arith.constant 0 : index
    %get3A_14 = arith.constant 0 : index
    %get3A_15 = arith.constant 0 : index
    %get3A_16 = vector.load %arg3[%get3A_13, %get3A_14, %get3A_15] : memref<1x5000x64xf32, #tpu.memory_space<vmem>>, vector<1x5000x64xf32>
    %get3A_17 = vector.shape_cast %get3A_16 : vector<1x5000x64xf32> to vector<5000x64xf32>
    %get3A_18 = arith.constant 0 : index
    %get3A_19 = arith.constant 0 : index
    %get3A_20 = arith.constant 0 : index
    %get3A_21 = vector.load %arg4[%get3A_18, %get3A_19, %get3A_20] : memref<1x5000x64xf32, #tpu.memory_space<vmem>>, vector<1x5000x64xf32>
    %get3A_22 = vector.shape_cast %get3A_21 : vector<1x5000x64xf32> to vector<5000x64xf32>
    %add3A_23 = arith.addf %get3A_17, %get3A_22 : vector<5000x64xf32>
    %get3A_24 = arith.constant 0 : index
    %get3A_25 = arith.constant 0 : index
    %get3A_26 = vector.load %arg5[%get3A_24, %get3A_25] : memref<5000x64xf32, #tpu.memory_space<vmem>>, vector<5000x64xf32>
    %add3A_27 = arith.addf %add3A_23, %get3A_26 : vector<5000x64xf32>
    %mul3A = vector.broadcast %rsqrt3A : vector<5000x1xf32> to vector<5000x64xf32>
    %mul3A_28 = arith.mulf %add3A_27, %mul3A : vector<5000x64xf32>
    %get3A_29 = arith.constant 0 : index
    %get3A_30 = arith.constant 0 : index
    %get3A_31 = vector.load %arg6[%get3A_29, %get3A_30] : memref<1x64xf32, #tpu.memory_space<vmem>>, vector<1x64xf32>
    %add3A_32 = vector.broadcast %get3A_31 : vector<1x64xf32> to vector<5000x64xf32>
    %add3A_33 = arith.addf %mul3A_28, %add3A_32 : vector<5000x64xf32>
    %max3A = arith.constant 0.000000e+00 : f32
    %max3A_34 = vector.broadcast %max3A : f32 to vector<5000x64xf32>
    %max3A_35 = arith.maximumf %add3A_33, %max3A_34 : vector<5000x64xf32>
    %get3A_36 = arith.constant 0 : index
    %get3A_37 = arith.constant 0 : index
    %get3A_38 = vector.load %arg7[%get3A_36, %get3A_37] : memref<64x48xf32, #tpu.memory_space<vmem>>, vector<64x48xf32>
    %dot_general3A = arith.constant dense<0.000000e+00> : vector<5000x48xf32>
    %dot_general3A_39 = tpu.matmul %max3A_35, %get3A_38, %dot_general3A {dimension_numbers = #tpu.dot_dimension_numbers<[1], [0], [0], [1], [0, 0, 1, 1], [], []>, transpose_lhs_hint = false} : vector<5000x64xf32>, vector<64x48xf32>, vector<5000x48xf32> -> vector<5000x48xf32>
    %mul3A_40 = vector.broadcast %rsqrt3A : vector<5000x1xf32> to vector<5000x48xf32>
    %mul3A_41 = arith.mulf %dot_general3A_39, %mul3A_40 : vector<5000x48xf32>
    %swap3A = arith.constant 0 : index
    %swap3A_42 = arith.constant 0 : index
    %swap3A_43 = vector.load %arg8[%swap3A, %swap3A_42] : memref<5000x48xf32, #tpu.memory_space<vmem>>, vector<5000x48xf32>
    tpu.vector_store %arg8[%swap3A, %swap3A_42], %mul3A_41 {strides = array<i32>} : memref<5000x48xf32, #tpu.memory_space<vmem>>, vector<5000x48xf32>,
    return
  }
  func.func @transform_0(%arg0: i32) -> (i32, i32, i32) {
    %c0_i32 = arith.constant 0 : i32
    %c0_i32_0 = arith.constant 0 : i32
    %c0_i32_1 = arith.constant 0 : i32
    return %c0_i32, %arg0, %c0_i32_0 : i32, i32, i32
  }
  func.func @transform_1(%arg0: i32) -> (i32, i32, i32) {
    %c1_i32 = arith.constant 1 : i32
    %c0_i32 = arith.constant 0 : i32
    %c0_i32_0 = arith.constant 0 : i32
    return %c1_i32, %arg0, %c0_i32 : i32, i32, i32
  }
  func.func @transform_2(%arg0: i32) -> (i32, i32, i32) {
    %c0_i32 = arith.constant 0 : i32
    %c0_i32_0 = arith.constant 0 : i32
    %c0_i32_1 = arith.constant 0 : i32
    return %c0_i32, %arg0, %c0_i32_0 : i32, i32, i32
  }
  func.func @transform_3(%arg0: i32) -> (i32, i32, i32) {
    %c1_i32 = arith.constant 1 : i32
    %c0_i32 = arith.constant 0 : i32
    %c0_i32_0 = arith.constant 0 : i32
    return %c1_i32, %arg0, %c0_i32 : i32, i32, i32
  }
  func.func @transform_4(%arg0: i32) -> (i32, i32) {
    %c0_i32 = arith.constant 0 : i32
    %c0_i32_0 = arith.constant 0 : i32
    return %arg0, %c0_i32 : i32, i32
  }
  func.func @transform_5(%arg0: i32) -> (i32, i32) {
    %c0_i32 = arith.constant 0 : i32
    %c0_i32_0 = arith.constant 0 : i32
    %c0_i32_1 = arith.constant 0 : i32
    return %c0_i32, %c0_i32_0 : i32, i32
  }
  func.func @transform_6(%arg0: i32) -> (i32, i32) {
    %c0_i32 = arith.constant 0 : i32
    %c0_i32_0 = arith.constant 0 : i32
    %c0_i32_1 = arith.constant 0 : i32
    return %c0_i32, %c0_i32_0 : i32, i32
  }
  func.func @transform_7(%arg0: i32) -> (i32, i32) {
    %c0_i32 = arith.constant 0 : i32
    %c0_i32_0 = arith.constant 0 : i32
    return %arg0, %c0_i32 : i32, i32
  }
}

module attributes {stable_mosaic.version = 14 : i64} {
  func.func @_tc4_body(%arg0: i32, %arg1: memref<1x5000x16xf32, #tpu.memory_space<vmem>>, %arg2: memref<1x5000x16xf32, #tpu.memory_space<vmem>>, %arg3: memref<1x5000x48xf32, #tpu.memory_space<vmem>>, %arg4: memref<1x5000x48xf32, #tpu.memory_space<vmem>>, %arg5: memref<5000x48xf32, #tpu.memory_space<vmem>>, %arg6: memref<1x40xf32, #tpu.memory_space<vmem>>, %arg7: memref<5000x40xf32, #tpu.memory_space<vmem>>) attributes {dimension_semantics = [#tpu.dimension_semantics<arbitrary>], iteration_bounds = array<i64: 2>, scalar_prefetch = 0 : i64, scratch_operands = 0 : i64, tpu.core_type = #tpu.core_type<tc>, window_params = [{transform_indices = @transform_0, window_bounds = array<i64: 1, 5000, 16>}, {transform_indices = @transform_1, window_bounds = array<i64: 1, 5000, 16>}, {transform_indices = @transform_2, window_bounds = array<i64: 1, 5000, 48>}, {transform_indices = @transform_3, window_bounds = array<i64: 1, 5000, 48>}, {transform_indices = @transform_4, window_bounds = array<i64: 5000, 48>}, {pipeline_mode = #tpu.pipeline_mode<synchronous>, transform_indices = @transform_5, window_bounds = array<i64: 1, 40>}, {transform_indices = @transform_6, window_bounds = array<i64: 5000, 40>}]} {
    %get3A = arith.constant 0 : index
    %get3A_0 = arith.constant 0 : index
    %get3A_1 = arith.constant 0 : index
    %get3A_2 = vector.load %arg1[%get3A, %get3A_0, %get3A_1] : memref<1x5000x16xf32, #tpu.memory_space<vmem>>, vector<1x5000x16xf32>
    %get3A_3 = vector.shape_cast %get3A_2 : vector<1x5000x16xf32> to vector<5000x16xf32>
    %slice3A = vector.extract_strided_slice %get3A_3 {offsets = [0, 0], sizes = [5000, 1], strides = [1, 1]} : vector<5000x16xf32> to vector<5000x1xf32>
    %get3A_4 = arith.constant 0 : index
    %get3A_5 = arith.constant 0 : index
    %get3A_6 = arith.constant 0 : index
    %get3A_7 = vector.load %arg2[%get3A_4, %get3A_5, %get3A_6] : memref<1x5000x16xf32, #tpu.memory_space<vmem>>, vector<1x5000x16xf32>
    %get3A_8 = vector.shape_cast %get3A_7 : vector<1x5000x16xf32> to vector<5000x16xf32>
    %slice3A_9 = vector.extract_strided_slice %get3A_8 {offsets = [0, 0], sizes = [5000, 1], strides = [1, 1]} : vector<5000x16xf32> to vector<5000x1xf32>
    %add3A = arith.addf %slice3A, %slice3A_9 : vector<5000x1xf32>
    %add3A_10 = arith.constant 1.000000e+00 : f32
    %add3A_11 = vector.broadcast %add3A_10 : f32 to vector<5000x1xf32>
    %add3A_12 = arith.addf %add3A, %add3A_11 : vector<5000x1xf32>
    %rsqrt3A = math.rsqrt %add3A_12 : vector<5000x1xf32>
    %get3A_13 = arith.constant 0 : index
    %get3A_14 = arith.constant 0 : index
    %get3A_15 = arith.constant 0 : index
    %get3A_16 = vector.load %arg3[%get3A_13, %get3A_14, %get3A_15] : memref<1x5000x48xf32, #tpu.memory_space<vmem>>, vector<1x5000x48xf32>
    %get3A_17 = vector.shape_cast %get3A_16 : vector<1x5000x48xf32> to vector<5000x48xf32>
    %get3A_18 = arith.constant 0 : index
    %get3A_19 = arith.constant 0 : index
    %get3A_20 = arith.constant 0 : index
    %get3A_21 = vector.load %arg4[%get3A_18, %get3A_19, %get3A_20] : memref<1x5000x48xf32, #tpu.memory_space<vmem>>, vector<1x5000x48xf32>
    %get3A_22 = vector.shape_cast %get3A_21 : vector<1x5000x48xf32> to vector<5000x48xf32>
    %add3A_23 = arith.addf %get3A_17, %get3A_22 : vector<5000x48xf32>
    %get3A_24 = arith.constant 0 : index
    %get3A_25 = arith.constant 0 : index
    %get3A_26 = vector.load %arg5[%get3A_24, %get3A_25] : memref<5000x48xf32, #tpu.memory_space<vmem>>, vector<5000x48xf32>
    %add3A_27 = arith.addf %add3A_23, %get3A_26 : vector<5000x48xf32>
    %mul3A = vector.broadcast %rsqrt3A : vector<5000x1xf32> to vector<5000x48xf32>
    %mul3A_28 = arith.mulf %add3A_27, %mul3A : vector<5000x48xf32>
    %slice3A_29 = vector.extract_strided_slice %mul3A_28 {offsets = [0, 0], sizes = [5000, 40], strides = [1, 1]} : vector<5000x48xf32> to vector<5000x40xf32>
    %get3A_30 = arith.constant 0 : index
    %get3A_31 = arith.constant 0 : index
    %get3A_32 = vector.load %arg6[%get3A_30, %get3A_31] : memref<1x40xf32, #tpu.memory_space<vmem>>, vector<1x40xf32>
    %add3A_33 = vector.broadcast %get3A_32 : vector<1x40xf32> to vector<5000x40xf32>
    %add3A_34 = arith.addf %slice3A_29, %add3A_33 : vector<5000x40xf32>
    %reduce_max3A = arith.constant dense<0xFF800000> : vector<5000xf32>
    %reduce_max3A_35 = vector.multi_reduction <maximumf>, %add3A_34, %reduce_max3A [1] : vector<5000x40xf32> to vector<5000xf32>
    %broadcast_in_dim3A = vector.shape_cast %reduce_max3A_35 : vector<5000xf32> to vector<5000x1xf32>
    %sub3A = vector.broadcast %broadcast_in_dim3A : vector<5000x1xf32> to vector<5000x40xf32>
    %sub3A_36 = arith.subf %add3A_34, %sub3A : vector<5000x40xf32>
    %exp3A = math.exp %sub3A_36 : vector<5000x40xf32>
    %sub3A_37 = vector.broadcast %broadcast_in_dim3A : vector<5000x1xf32> to vector<5000x40xf32>
    %sub3A_38 = arith.subf %add3A_34, %sub3A_37 : vector<5000x40xf32>
    %reduce_sum3A = arith.constant dense<0.000000e+00> : vector<5000xf32>
    %reduce_sum3A_39 = vector.multi_reduction <add>, %exp3A, %reduce_sum3A [1] : vector<5000x40xf32> to vector<5000xf32>
    %broadcast_in_dim3A_40 = vector.shape_cast %reduce_sum3A_39 : vector<5000xf32> to vector<5000x1xf32>
    %log3A = math.log %broadcast_in_dim3A_40 : vector<5000x1xf32>
    %sub3A_41 = vector.broadcast %log3A : vector<5000x1xf32> to vector<5000x40xf32>
    %sub3A_42 = arith.subf %sub3A_38, %sub3A_41 : vector<5000x40xf32>
    %swap3A = arith.constant 0 : index
    %swap3A_43 = arith.constant 0 : index
    %swap3A_44 = vector.load %arg7[%swap3A, %swap3A_43] : memref<5000x40xf32, #tpu.memory_space<vmem>>, vector<5000x40xf32>
    tpu.vector_store %arg7[%swap3A, %swap3A_43], %sub3A_42 {strides = array<i32>} : memref<5000x40xf32, #tpu.memory_space<vmem>>, vector<5000x40xf32>,
    return
  }
  func.func @transform_0(%arg0: i32) -> (i32, i32, i32) {
    %c0_i32 = arith.constant 0 : i32
    %c0_i32_0 = arith.constant 0 : i32
    %c0_i32_1 = arith.constant 0 : i32
    return %c0_i32, %arg0, %c0_i32_0 : i32, i32, i32
  }
  func.func @transform_1(%arg0: i32) -> (i32, i32, i32) {
    %c1_i32 = arith.constant 1 : i32
    %c0_i32 = arith.constant 0 : i32
    %c0_i32_0 = arith.constant 0 : i32
    return %c1_i32, %arg0, %c0_i32 : i32, i32, i32
  }
  func.func @transform_2(%arg0: i32) -> (i32, i32, i32) {
    %c0_i32 = arith.constant 0 : i32
    %c0_i32_0 = arith.constant 0 : i32
    %c0_i32_1 = arith.constant 0 : i32
    return %c0_i32, %arg0, %c0_i32_0 : i32, i32, i32
  }
  func.func @transform_3(%arg0: i32) -> (i32, i32, i32) {
    %c1_i32 = arith.constant 1 : i32
    %c0_i32 = arith.constant 0 : i32
    %c0_i32_0 = arith.constant 0 : i32
    return %c1_i32, %arg0, %c0_i32 : i32, i32, i32
  }
  func.func @transform_4(%arg0: i32) -> (i32, i32) {
    %c0_i32 = arith.constant 0 : i32
    %c0_i32_0 = arith.constant 0 : i32
    return %arg0, %c0_i32 : i32, i32
  }
  func.func @transform_5(%arg0: i32) -> (i32, i32) {
    %c0_i32 = arith.constant 0 : i32
    %c0_i32_0 = arith.constant 0 : i32
    %c0_i32_1 = arith.constant 0 : i32
    return %c0_i32, %c0_i32_0 : i32, i32
  }
  func.func @transform_6(%arg0: i32) -> (i32, i32) {
    %c0_i32 = arith.constant 0 : i32
    %c0_i32_0 = arith.constant 0 : i32
    return %arg0, %c0_i32 : i32, i32
  }
}

</mosaic_0001>

<sc_bundles>
// kernel: kernel.12.cloned.1.call-start
scs
__scs_entry_jumppad:
0x0: {  	(pc) =	sbr.rel $0x88, $3  }
0x1: {  	(tag) =	ssettag $0x0;
	lr =	simm.s32 $0x1  }
0x2: {  	[smem:$0x3F97] =	sst lr;
	_ =	strace $0xD0000000  }
0x3: {  	_ = 	snop  }
0x4: {  	_ = 	snop  }
0x5: {  	_ = 	snop  }
0x6: {  	_ = 	snop  }
0x7: {  	_ = 	snop  }
__scs_overlays_trampoline_lowered:
0x8: {  	[smem:$0x3FA6] =	sst s0  }
0x9: {  	[smem:$0x3FA7] =	sst s1  }
0xa: {  	[smem:$0x3FA8] =	sst s2  }
0xb: {  	[smem:$0x3FA9] =	sst s3  }
0xc: {  	[smem:$0x3FAA] =	sst s4  }
0xd: {  	[smem:$0x3FAB] =	sst s5  }
0xe: {  	[smem:$0x3FAC] =	sst s6  }
0xf: {  	[smem:$0x3FAD] =	sst s7  }
0x10: {  	[smem:$0x3FAE] =	sst s8  }
0x11: {  	[smem:$0x3FAF] =	sst s9;
	s0 =	simm.s32 @!p0 $0x0  }
0x12: {  	s1 =	sld [smem:$0x3F95];
	s0 =	simm.s32 @p0 $0x1  }
0x13: {  	[smem:$0x3FB0] =	sst s0;
	s0 =	simm.s32 @!p1 $0x0  }
0x14: {  	s2 =	sld [smem:$0x3F94];
	s0 =	simm.s32 @p1 $0x1  }
0x15: {  	[smem:$0x3FB1] =	sst s0;
	s0 =	simm.s32 @!p2 $0x0  }
0x16: {  	s3 =	sld [smem:$0x3FDB];
	s0 =	simm.s32 @p2 $0x1  }
0x17: {  	s4 =	simm.s32 $0x1BF5;
	[smem:$0x3FB3] =	sst s0  }
0x18: {  	s0 =	sld [smem:$0x3F96];
	_ =	swait.ge [sflag:s4], $0x0  }
0x19: {  	s7 =	sld [smem:$0x3F97]  }
0x1a: {  	s8 =	sadd.s32 $0xFFFFE003, lr  }
0x1b: {  	s9 =	sadd.s32 $0xFFFFFEF7, lr;
	s5 =	simm.s32 $0xFFFFFFFF;
	p2 =	slt.u32 s8, $0xFFFFF086  }
0x1c: {  	p1 =	slt.u32 s9, $0xF7A;
	s5 =	simm.s32 @!p2 $0x0  }
0x1d: {  	s5 =	simm.s32 @p1 $0x1;
	p0 =	seq.s32 s7, s2  }
0x1e: {  	s7 =	smul.u32 @!p0 $0xF7A, s2;
	p2 =	seq.s32 @!p0 s5, $0x0  }
0x1f: {  	s9 =	smul.u32 $0xF7A, s1;
	s8 =	simm.s32 @!p0 $0x1BF5;
	p2 =	por !p2, p0  }
0x20: {  	[sflag:s8] =	ssyncset.s32 @!p0 $0xFFFFF086;
	s6 =	sadd.s32 @!p0 s3, s7;
	s7 =	simm.s32 @!p0 $0x108  }
0x21: {  	s3 =	sadd.s32 s3, s9;
	s6 =	sadd.s32 @!p0 $0x88, s6;
	s7 =	simm.s32 @p2 $0x1082  }
0x22: {  	[simem:s7], [sflag:s8] =	dma.local @!p0 [hbm:s6], $0xF7A  }
0x23: {  	s9 =	sor.u32 $0xD0000000, s2;
	s6 =	simm.s32 $0x108;
	_ =	swait.ge @!p0 [sflag:s8], $0x0  }
0x24: {  	s3 =	sadd.s32 $0x88, s3;
	s6 =	simm.s32 @!p1 $0x1082;
	[sflag:s4] =	ssyncset.s32 $0xFFFFF086  }
0x25: {  	[simem:s6], [sflag:s4] =	dma.local [hbm:s3], $0xF7A  }
0x26: {  	[smem:$0x3F97] =	sst s1;
	(tag) =	ssettag s2;
	_ =	strace s9  }
0x27: {  	s1 =	sld [smem:$0x3FA7]  }
0x28: {  	s2 =	sld [smem:$0x3FA8]  }
0x29: {  	s4 =	sld [smem:$0x3FAA]  }
0x2a: {  	p0 =	seq.s32 s5, $0x0;
	s5 =	sld [smem:$0x3FAB]  }
0x2b: {  	s6 =	sld [smem:$0x3FAC]  }
0x2c: {  	s7 =	sld [smem:$0x3FAD]  }
0x2d: {  	s3 =	simm.s32 $0x108;
	s8 =	sld [smem:$0x3FAE]  }
0x2e: {  	s3 =	simm.s32 @!p0 $0x1082;
	s9 =	sld [smem:$0x3FAF]  }
0x2f: {  	lr =	sadd.s32 s0, s3;
	s0 =	sld [smem:$0x3FA6]  }
0x30: {  	s3 =	sld [smem:$0x3FA9]  }
0x31: {  	[smem:$0x3FB2] =	sst s10  }
0x32: {  	s10 =	sld [smem:$0x3FB0];
	_ =	sdelay $0x3  }
0x33: {  	p0 =	seq.s32 s10, $0x1;
	s10 =	sld [smem:$0x3FB2];
	_ =	sdelay $0x3  }
0x34: {  	[smem:$0x3FB2] =	sst s10  }
0x35: {  	s10 =	sld [smem:$0x3FB1];
	_ =	sdelay $0x3  }
0x36: {  	p1 =	seq.s32 s10, $0x1;
	s10 =	sld [smem:$0x3FB2];
	_ =	sdelay $0x3  }
0x37: {  	[smem:$0x3FB2] =	sst s10  }
0x38: {  	s10 =	sld [smem:$0x3FB3]  }
0x39: {  	_ = 	snop;
	(pc) =	sbr.ind lr, $3  }
0x3a: {  	_ = 	snop  }
0x3b: {  	_ = 	snop  }
0x3c: {  	p2 =	seq.s32 s10, $0x1;
	s10 =	sld [smem:$0x3FB2]  }
0x3d: {  	_ =	shalt  }
0x3e: {  	_ =	shalt  }
0x3f: {  	_ =	shalt  }
0x40: {  	_ =	shalt  }
0x41: {  	_ =	shalt  }
0x42: {  	_ =	shalt  }
0x43: {  	_ =	shalt  }
0x44: {  	_ =	shalt  }
0x45: {  	_ =	shalt  }
0x46: {  	_ =	shalt  }
0x47: {  	_ =	shalt  }
0x48: {  	_ =	shalt  }
0x49: {  	_ =	shalt  }
0x4a: {  	_ =	shalt  }
0x4b: {  	_ =	shalt  }
0x4c: {  	_ =	shalt  }
0x4d: {  	_ =	shalt  }
0x4e: {  	_ =	shalt  }
0x4f: {  	_ =	shalt  }
0x50: {  	_ =	shalt  }
0x51: {  	_ =	shalt  }
0x52: {  	_ =	shalt  }
0x53: {  	_ =	shalt  }
0x54: {  	_ =	shalt  }
0x55: {  	_ =	shalt  }
0x56: {  	_ =	shalt  }
0x57: {  	_ =	shalt  }
0x58: {  	_ =	shalt  }
0x59: {  	_ =	shalt  }
0x5a: {  	_ =	shalt  }
0x5b: {  	_ =	shalt  }
0x5c: {  	_ =	shalt  }
0x5d: {  	_ =	shalt  }
0x5e: {  	_ =	shalt  }
0x5f: {  	_ =	shalt  }
0x60: {  	_ =	shalt  }
0x61: {  	_ =	shalt  }
0x62: {  	_ =	shalt  }
0x63: {  	_ =	shalt  }
0x64: {  	_ =	shalt  }
0x65: {  	_ =	shalt  }
0x66: {  	_ =	shalt  }
0x67: {  	_ =	shalt  }
0x68: {  	_ =	shalt  }
0x69: {  	_ =	shalt  }
0x6a: {  	_ =	shalt  }
0x6b: {  	_ =	shalt  }
0x6c: {  	_ =	shalt  }
0x6d: {  	_ =	shalt  }
0x6e: {  	_ =	shalt  }
0x6f: {  	_ =	shalt  }
0x70: {  	_ =	shalt  }
0x71: {  	_ =	shalt  }
0x72: {  	_ =	shalt  }
0x73: {  	_ =	shalt  }
0x74: {  	_ =	shalt  }
0x75: {  	_ =	shalt  }
0x76: {  	_ =	shalt  }
0x77: {  	_ =	shalt  }
0x78: {  	_ =	shalt  }
0x79: {  	_ =	shalt  }
0x7a: {  	_ =	shalt  }
0x7b: {  	_ =	shalt  }
0x7c: {  	_ =	shalt  }
0x7d: {  	_ =	shalt  }
0x7e: {  	_ =	shalt  }
0x7f: {  	_ =	shalt  }
0x80: {  	_ =	shalt  }
0x81: {  	_ =	shalt  }
0x82: {  	_ =	shalt  }
0x83: {  	_ =	shalt  }
0x84: {  	_ =	shalt  }
0x85: {  	_ =	shalt  }
0x86: {  	_ =	shalt  }
0x87: {  	_ =	shalt  }
.Lfunc_end0:
.L_simem_size_0:
called_computation.1_lowered:
.L_overlay_start_0:
0x88: {  	s2 =	sld [smem:$0x3FD9]  }
0x89: {  	s3 =	sld [smem:$0x3FFE];
	_ =	sdelay $0x1  }
0x8a: {  	s1 =	srdreg.scid  }
0x8b: {  	s0 =	sand.u32 $0x1, s1  }
0x8c: {  	s16 =	sshll.u32 s0, $0xA;
	s2 =	sadd.s32 s3, s2  }
0x8d: {  	s2 =	sadd.s32 s2, s16  }
0x8e: {  	[smem:$0x3FBE] =	sst s2  }
0x8f: {  	_ = 	snop  }
0x90: {  	(tm) =	ssettm $0x1  }
0x91: {  	s17 =	sld [smem:$0x3FFB];
	_ =	sdelay $0x3  }
0x92: {  	_ =	strace s17  }
0x93: {  	s2 =	sld [smem:$0x3FFC];
	_ =	sdelay $0x3  }
0x94: {  	_ =	strace s2  }
0x95: {  	s2 =	sld [smem:$0x3FFD];
	_ =	sdelay $0x3  }
0x96: {  	_ =	strace s2  }
0x97: {  	_ =	strace $0x8FFFFFFF  }
0x98: {  	s18 =	sld [smem:$0x3FDB];
	_ =	sdelay $0x1  }
0x99: {  	s19 =	simm.s32 $_scs_section_size  }
0x9a: {  	s4 =	simm.s32 $_size__tile_overlayer_lowered;
	s5 =	simm.s32 $_tile_overlayer_lowered  }
0x9b: {  	s22 =	simm.s32 $0x1BFF;
	s21 =	sshll.u32 s5, $0x1;
	s2 =	sadd.s32 s19, s18  }
0x9c: {  	s6 =	simm.s32 $0x0;
	s20 =	sshll.u32 s4, $0x1;
	s4 =	sadd.s32 s21, s2  }
0x9d: {  	[timem:s6], [sflag:s22] =	dma.local [hbm:s4], s20  }
0x9e: {  	_ =	swait.ge [sflag:s22], s20  }
0x9f: {  	s3 =	ssub.s32 $0x0, s20;
	[sflag:s22] =	ssyncset.done $0x0  }
0xa0: {  	[sflag:s22] =	ssyncadd.s32 s3;
	_ =	sdelay $0x1  }
0xa1: {  	s23 =	simm.s32 $0x1B8B  }
0xa2: {  	_ =	swait.ge [sflag:s23], $0x1  }
0xa3: {  	[sflag:s23] =	ssyncset.done $0x0  }
0xa4: {  	s25 =	simm.s32 $0x1B8E;
	s24 =	sld [smem:$0x3FFE];
	[sflag:s23] =	ssyncadd.s32 $0xFFFFFFFF  }
0xa5: {  	s26 =	simm.s32 $execute0_lowered;
	[smem:$0x3FD2] =	sst s25  }
0xa6: {  	s4 =	sshll.u32 s26, $0x1;
	_ =	strace $0x80000049;
	[dreg:$0x1] =	wrdreg $0xFFFFFFFF  }
0xa7: {  	s28 =	simm.s32 $_size_execute0_lowered;
	s2 =	sadd.s32 s2, s4;
	[dreg:$0x0] =	wrdreg $0x0  }
0xa8: {  	s4 =	sshll.u32 s28, $0x1;
	[dreg:$0x2] =	wrdreg s2  }
0xa9: {  	[dreg:$0x3] =	wrdreg s4  }
0xaa: {  	[dreg:$0x4] =	wrdreg $0xC0  }
0xab: {  	_ =	task [dreg:s6], $0x5FFFF  }
0xac: {  	[dreg:$0x1] =	wrdreg $0xFFFFFFFF  }
0xad: {  	[dreg:$0x0] =	wrdreg $0x60  }
0xae: {  	[dreg:$0x2] =	wrdreg s24  }
0xaf: {  	[dreg:$0x3] =	wrdreg $0x10F000  }
0xb0: {  	[dreg:$0x4] =	wrdreg $0x6F000  }
0xb1: {  	[dreg:$0x5] =	wrdreg $0x9  }
0xb2: {  	_ =	task.clear_ibuf [dreg:s6], $0x6FFFF;
	_ =	strace $0x90000049  }
0xb3: {  	s29 =	simm.s32 $0x9;
	_ =	strace $0x8000004B  }
0xb4: {  	_ =	swait.ge [sflag:s29], $0x1  }
0xb5: {  	[sflag:s29] =	ssyncadd.s32 $0xFFFFFFFF  }
0xb6: {  	_ =	strace $0x9000004B  }
0xb7: {  	_ =	sfence  }
0xb8: {  	s30 =	sld [smem:$0x0];
	_ =	sdelay $0x2  }
0xb9: {  	s31 =	sshll.u32 s1, $0xD;
	s1 =	sshrl.u32 s1, $0x2  }
0xba: {  	s3 =	sand.u32 $0x4000, s31;
	s1 =	sadd.s32 s1, s30  }
0xbb: {  	s0 =	sor.u32 s3, s0;
	s1 =	sshll.u32 s1, $0x11  }
0xbc: {  	s0 =	sor.u32 s1, s0  }
0xbd: {  	s0 =	sadd.s32 $0x8F2B, s0  }
0xbe: {  	[sflag:s0] =	ssyncadd.remote.s32 $0x1  }
0xbf: {  	_ =	sfence.sel $0xFFFF  }
0xc0: {  	[dreg:$0x0] =	wrdreg $0xFFFFFFFF;
	(pc) =	sbr.abs _section_cstart, $3  }
0xc1: {  	[dreg:$0x1] =	wrdreg $0xFFFFFFFF  }
0xc2: {  	_ =	task.clear_ibuf [dreg:s6], $0x2FFFF;
	_ =	strace $0x9FFFFFFF  }
0xc3: {  	(tm) =	ssettm $0x7FFFFFFF  }
tec
execute0_lowered:
.L_overlay_start_1:
0x0: {  	(tag) =	ssettag $0x1  }
0x1: {  	s1 =	srdreg.scid;
	s5 =	rddreg [dreg:$0x0]  }
0x2: {  	s0 =	stileid.u32;
	s2 =	rddreg [dreg:$0x1]  }
0x3: {  	s3 =	rddreg [dreg:$0x2];
	s4 =	simm.s32 $0x0;
	s17 =	simm.s32 $0x80  }
0x4: {  	s18 =	simm.s32 $0x4F00;
	s19 =	simm.s32 $0x1;
	s8 =	smul.u32 $0xFA00, s0  }
0x5: {  	s20 =	simm.s32 $0x0;
	s6 =	sand.u32 $0x1, s1;
	s9 =	smul.u32 $0xA000, s0  }
0x6: {  	s30 =	sshll.u32 s0, $0x1;
	[smem:$0x7FF] =	sst s4;
	s10 =	smul.u32 $0x1400, s0  }
0x7: {  	p0 =	sgt.u32 s0, $0x9;
	s15 =	sshll.u32 s0, $0x6;
	s1 =	sor.u32 s6, s30  }
0x8: {  	s12 =	smul.u32 $0x14000, s6;
	s6 =	ssub.s32 $0x2, s6;
	s15 =	sor.u32 $0x1C02, s15  }
0x9: {  	s7 =	smul.u32 $0x2710, s1;
	s1 =	rddreg [dreg:$0x3];
	_ =	strace $0x8000004A  }
0xa: {  	s11 =	sshrl.u32 s8, $0x3;
	s13 =	sshrl.u32 s9, $0x3;
	s31 =	sshrl.u32 s6, $0x1  }
0xb: {  	s14 =	sadd.s32 s8, s2;
	s16 =	sadd.s32 s9, s3;
	s11 =	sadd.s32 s11, s5  }
0xc: {  	s10 =	sadd.s32 s10, s12;
	s13 =	sadd.s32 s13, s5;
	s12 =	ssub.s32 s6, s31  }
0xd: {  	s14 =	sshrl.u32 @!p0 s14, $0x3;
	s16 =	sshrl.u32 s16, $0x3;
	s7 =	sshrl.u32 s7, $0x3  }
0xe: {  	s10 =	sadd.s32 s10, s5;
	s8 =	sadd.s32 $0x29800, s13;
	s13 =	sshll.u32 @!p0 s0, $0x6  }
0xf: {  	s7 =	sadd.s32 s7, s5;
	s9 =	sadd.s32 $0x3D800, s10;
	s10 =	smax.u32 s12, $0x1  }
0x10: {  	s12 =	simm.s32 $0x2;
	s13 =	sor.u32 @!p0 $0x1C02, s13;
	s5 =	sadd.s32 $0xC040, s7  }
0x11: {  	v0 =	vimm.s32 $0x2710;
	v1 =	vimm.s32 $0x0;
	s6 =	sadd.s32 $0x2400, s7;
	s7 =	sadd.s32 $0x15E00, s11;
	s11 =	simm.s32 $0x2780  }
.LBB2_1:
0x12: {  	[tilespmem:s11], [sflag:$0x2] =	stream.linear.gather [hbm4b:s5+s4], $0x2710, $0x38;
	[tilespmem:$0x1AB40] =	vst v63  }
0x13: {  	_ =	swait.ge [sflag:s12], $0x2710  }
0x14: {  	[sflag:s12] =	ssyncset.done $0x0  }
0x15: {  	[sflag:s12] =	ssyncadd.s32 $0xFFFFD8F0  }
0x16: {  	[tilespmem:$0x4E90] =	vst v0  }
0x17: {  	[tilespmem:$0x4EA0] =	vst v0  }
0x18: {  	[tilespmem:$0x4EB0] =	vst v0  }
0x19: {  	[tilespmem:$0x4EC0] =	vst v0  }
0x1a: {  	[tilespmem:$0x4ED0] =	vst v0  }
0x1b: {  	[tilespmem:$0x4EE0] =	vst v0  }
0x1c: {  	[tilespmem:$0x4EF0] =	vst v0  }
0x1d: {  	[tilespmem:s4], [sflag:$0x2] =	stream.linear.gather [hbm4b:s6+s4], $0x2710, $0x38;
	[tilespmem:$0x1AB40] =	vst v63  }
0x1e: {  	_ =	swait.ge [sflag:s12], $0x2710  }
0x1f: {  	[sflag:s12] =	ssyncset.done $0x0  }
0x20: {  	[sflag:s12] =	ssyncadd.s32 $0xFFFFD8F0  }
0x21: {  	[tilespmem:$0x2710] =	vst v1  }
0x22: {  	[tilespmem:$0x2720] =	vst v1  }
0x23: {  	[tilespmem:$0x2730] =	vst v1  }
0x24: {  	[tilespmem:$0x2740] =	vst v1  }
0x25: {  	[tilespmem:$0x2750] =	vst v1  }
0x26: {  	[tilespmem:$0x2760] =	vst v1  }
0x27: {  	s21 =	simm.s32 @!p0 $0x2;
	[tilespmem:$0x2770] =	vst v1  }
0x28: {  	[spmem:s14], [sflag:s13] =	dma.local @!p0 [hbm:s7], $0x1F40  }
0x29: {  	_ =	swait.ge @!p0 [sflag:s21], $0x1F40  }
0x2a: {  	[sflag:s21] =	ssyncset.done @!p0 $0x0  }
0x2b: {  	[sflag:s21] =	ssyncadd.s32 @!p0 $0xFFFFE0C0  }
0x2c: {  	[spmem:s16], [sflag:s15] =	dma.local [hbm:s8], $0x1400  }
0x2d: {  	_ =	swait.ge [sflag:s12], $0x1400  }
0x2e: {  	[sflag:s12] =	ssyncset.done $0x0  }
0x2f: {  	[sflag:s12] =	ssyncadd.s32 $0xFFFFEC00  }
0x30: {  	s30 =	simm.s32 $0x0;
	[bflag:$0x0] =	sbarrier.arrive $0xFFFF  }
0x31: {  	[tilespmem:s18], [sflag:$0x1] =	stream.indirect.gather [spmem:s2], $0x40, s30, s17, $0xb8;
	[tilespmem:$0x1AB40] =	vst v63  }
0x32: {  	_ =	swait.ge [sflag:s19], $0x2000  }
0x33: {  	[sflag:s19] =	ssyncset.done $0x0  }
0x34: {  	s31 =	simm.s32 $0x2780;
	[sflag:s19] =	ssyncadd.s32 $0xFFFFE000  }
0x35: {  	[spmem:s3] =	stream.indirect.scatter.add.f32 [tilespmem:s18], [sflag:$0x2], $0x40, s31, s17, $0xb8;
	[tilespmem:$0x1AB40] =	vst v63  }
0x36: {  	_ =	swait.ge [sflag:s12], $0x2000  }
0x37: {  	s22 =	simm.s32 $0x400;
	s21 =	simm.s32 $0x200;
	[sflag:s12] =	ssyncset.done $0x0  }
.LBB2_2:
0x38: {  	s23 =	sshra.s32 s21, $0x2  }
0x39: {  	[sflag:s12] =	ssyncadd.s32 $0xFFFFE000;
	s21 =	smov.u32 s22;
	s24 =	sadd.s32 $0x200, s22  }
0x3a: {  	[tilespmem:s18], [sflag:$0x1] =	stream.indirect.gather [spmem:s2], $0x40, s23, s17, $0xb8;
	[tilespmem:$0x1AB40] =	vst v63  }
0x3b: {  	p1 =	sne.s32 s22, $0x9C00;
	_ =	swait.ge [sflag:s19], $0x2000  }
.Ltmp0:
0x3c: {  	[sflag:s19] =	ssyncset.done $0x0;
	(pc) =	sbr.rel @p1 .LBB2_2-.Ltmp0, $4  }
0x3d: {  	s22 =	sadd.s32 $0x2780, s23;
	[sflag:s19] =	ssyncadd.s32 $0xFFFFE000  }
0x3e: {  	[spmem:s3] =	stream.indirect.scatter.add.f32 [tilespmem:s18], [sflag:$0x2], $0x40, s22, s17, $0xb8;
	[tilespmem:$0x1AB40] =	vst v63  }
0x3f: {  	_ =	swait.ge [sflag:s12], $0x2000  }
0x40: {  	s22 =	smov.u32 s24;
	[sflag:s12] =	ssyncset.done $0x0  }
0x41: {  	s21 =	sshra.s32 s21, $0x2;
	[sflag:s12] =	ssyncadd.s32 $0xFFFFE000  }
0x42: {  	[tilespmem:s18], [sflag:$0x1] =	stream.indirect.gather [spmem:s2], $0x40, s21, s17, $0xb8;
	[tilespmem:$0x1AB40] =	vst v63  }
0x43: {  	_ =	swait.ge [sflag:s19], $0x2000  }
0x44: {  	[sflag:s19] =	ssyncset.done $0x0  }
0x45: {  	s21 =	sadd.s32 $0x2780, s21;
	[sflag:s19] =	ssyncadd.s32 $0xFFFFE000  }
0x46: {  	[spmem:s3] =	stream.indirect.scatter.add.f32 [tilespmem:s18], [sflag:$0x2], $0x40, s21, s17, $0xb8;
	[tilespmem:$0x1AB40] =	vst v63  }
0x47: {  	_ =	swait.ge [sflag:s12], $0x2000  }
0x48: {  	s20 =	sadd.s32 $0x1, s20;
	[sflag:s12] =	ssyncset.done $0x0  }
0x49: {  	p1 =	sne.s32 s20, s10;
	[sflag:s12] =	ssyncadd.s32 $0xFFFFE000  }
.Ltmp1:
0x4a: {  	[bflag:$0x0] =	sbarrier.arrive $0xFFFF;
	(pc) =	sbr.rel @p1 .LBB2_1-.Ltmp1, $4  }
0x4b: {  	[hbm:s9], [sflag:s15] =	dma.local [spmem:s16], $0x1400  }
0x4c: {  	_ =	swait.ge [sflag:s12], $0x1400  }
0x4d: {  	[sflag:s12] =	ssyncset.done $0x0  }
0x4e: {  	[sflag:s12] =	ssyncadd.s32 $0xFFFFEC00  }
0x4f: {  	_ =	sfence.sel $0x180000  }
0x50: {  	[bflag:$0x0] =	sbarrier.arrive $0xFFFF  }
0x51: {  	p0 =	sne.s32 s0, $0x0;
	_ =	strace $0x9000004A  }
0x52: {  	s0 =	sadd.s32 @!p0 $0x100000, s1;
	[bflag:$0x2] =	sbarrier.arrive $0xFFFF  }
0x53: {  	[sflag:s0] =	ssyncadd.tile.s32 @!p0 $0x1;
	_ =	shalt  }
.Lfunc_end2:
_tile_overlayer_lowered:
.L_overlay_start_2:
0x54: {  	(tag) =	ssettag $0x2  }
0x55: {  	s0 =	rddreg [dreg:$0x0];
	s2 =	stileid.u32  }
0x56: {  	s1 =	rddreg [dreg:$0x1];
	p0 =	sne.s32 s2, $0x0  }
0x57: {  	s3 =	rddreg [dreg:$0x2];
	[bflag:$0x3] =	sbarrier.arrive $0xFFFF;
	s2 =	simm.s32 @!p0 $0x1C02  }
0x58: {  	[timem:s3], [sflag:s2] =	dma.local @!p0 [hbm:s0], s1  }
0x59: {  	s0 =	simm.s32 @!p0 $0x2  }
0x5a: {  	_ =	swait.ge @!p0 [sflag:s0], s1  }
0x5b: {  	s1 =	ssub.s32 @!p0 $0x0, s1;
	[sflag:s0] =	ssyncset.done @!p0 $0x0  }
0x5c: {  	[sflag:s0] =	ssyncadd.s32 @!p0 s1  }
0x5d: {  	[bflag:$0x3] =	sbarrier.arrive $0xFFFF  }
0x5e: {  	_ =	shalt  }

// kernel: kernel.15.cloned.1.call-start
scs
__scs_entry_jumppad:
0x0: {  	(pc) =	sbr.rel $0x88, $3  }
0x1: {  	(tag) =	ssettag $0x0;
	lr =	simm.s32 $0x1  }
0x2: {  	[smem:$0x3F97] =	sst lr;
	_ =	strace $0xD0000000  }
0x3: {  	_ = 	snop  }
0x4: {  	_ = 	snop  }
0x5: {  	_ = 	snop  }
0x6: {  	_ = 	snop  }
0x7: {  	_ = 	snop  }
__scs_overlays_trampoline_lowered:
0x8: {  	[smem:$0x3FA6] =	sst s0  }
0x9: {  	[smem:$0x3FA7] =	sst s1  }
0xa: {  	[smem:$0x3FA8] =	sst s2  }
0xb: {  	[smem:$0x3FA9] =	sst s3  }
0xc: {  	[smem:$0x3FAA] =	sst s4  }
0xd: {  	[smem:$0x3FAB] =	sst s5  }
0xe: {  	[smem:$0x3FAC] =	sst s6  }
0xf: {  	[smem:$0x3FAD] =	sst s7  }
0x10: {  	[smem:$0x3FAE] =	sst s8  }
0x11: {  	[smem:$0x3FAF] =	sst s9;
	s0 =	simm.s32 @!p0 $0x0  }
0x12: {  	s1 =	sld [smem:$0x3F95];
	s0 =	simm.s32 @p0 $0x1  }
0x13: {  	[smem:$0x3FB0] =	sst s0;
	s0 =	simm.s32 @!p1 $0x0  }
0x14: {  	s2 =	sld [smem:$0x3F94];
	s0 =	simm.s32 @p1 $0x1  }
0x15: {  	[smem:$0x3FB1] =	sst s0;
	s0 =	simm.s32 @!p2 $0x0  }
0x16: {  	s3 =	sld [smem:$0x3FDB];
	s0 =	simm.s32 @p2 $0x1  }
0x17: {  	s4 =	simm.s32 $0x1BF5;
	[smem:$0x3FB3] =	sst s0  }
0x18: {  	s0 =	sld [smem:$0x3F96];
	_ =	swait.ge [sflag:s4], $0x0  }
0x19: {  	s7 =	sld [smem:$0x3F97]  }
0x1a: {  	s8 =	sadd.s32 $0xFFFFE003, lr  }
0x1b: {  	s9 =	sadd.s32 $0xFFFFFEF7, lr;
	s5 =	simm.s32 $0xFFFFFFFF;
	p2 =	slt.u32 s8, $0xFFFFF086  }
0x1c: {  	p1 =	slt.u32 s9, $0xF7A;
	s5 =	simm.s32 @!p2 $0x0  }
0x1d: {  	s5 =	simm.s32 @p1 $0x1;
	p0 =	seq.s32 s7, s2  }
0x1e: {  	s7 =	smul.u32 @!p0 $0xF7A, s2;
	p2 =	seq.s32 @!p0 s5, $0x0  }
0x1f: {  	s9 =	smul.u32 $0xF7A, s1;
	s8 =	simm.s32 @!p0 $0x1BF5;
	p2 =	por !p2, p0  }
0x20: {  	[sflag:s8] =	ssyncset.s32 @!p0 $0xFFFFF086;
	s6 =	sadd.s32 @!p0 s3, s7;
	s7 =	simm.s32 @!p0 $0x108  }
0x21: {  	s3 =	sadd.s32 s3, s9;
	s6 =	sadd.s32 @!p0 $0x88, s6;
	s7 =	simm.s32 @p2 $0x1082  }
0x22: {  	[simem:s7], [sflag:s8] =	dma.local @!p0 [hbm:s6], $0xF7A  }
0x23: {  	s9 =	sor.u32 $0xD0000000, s2;
	s6 =	simm.s32 $0x108;
	_ =	swait.ge @!p0 [sflag:s8], $0x0  }
0x24: {  	s3 =	sadd.s32 $0x88, s3;
	s6 =	simm.s32 @!p1 $0x1082;
	[sflag:s4] =	ssyncset.s32 $0xFFFFF086  }
0x25: {  	[simem:s6], [sflag:s4] =	dma.local [hbm:s3], $0xF7A  }
0x26: {  	[smem:$0x3F97] =	sst s1;
	(tag) =	ssettag s2;
	_ =	strace s9  }
0x27: {  	s1 =	sld [smem:$0x3FA7]  }
0x28: {  	s2 =	sld [smem:$0x3FA8]  }
0x29: {  	s4 =	sld [smem:$0x3FAA]  }
0x2a: {  	p0 =	seq.s32 s5, $0x0;
	s5 =	sld [smem:$0x3FAB]  }
0x2b: {  	s6 =	sld [smem:$0x3FAC]  }
0x2c: {  	s7 =	sld [smem:$0x3FAD]  }
0x2d: {  	s3 =	simm.s32 $0x108;
	s8 =	sld [smem:$0x3FAE]  }
0x2e: {  	s3 =	simm.s32 @!p0 $0x1082;
	s9 =	sld [smem:$0x3FAF]  }
0x2f: {  	lr =	sadd.s32 s0, s3;
	s0 =	sld [smem:$0x3FA6]  }
0x30: {  	s3 =	sld [smem:$0x3FA9]  }
0x31: {  	[smem:$0x3FB2] =	sst s10  }
0x32: {  	s10 =	sld [smem:$0x3FB0];
	_ =	sdelay $0x3  }
0x33: {  	p0 =	seq.s32 s10, $0x1;
	s10 =	sld [smem:$0x3FB2];
	_ =	sdelay $0x3  }
0x34: {  	[smem:$0x3FB2] =	sst s10  }
0x35: {  	s10 =	sld [smem:$0x3FB1];
	_ =	sdelay $0x3  }
0x36: {  	p1 =	seq.s32 s10, $0x1;
	s10 =	sld [smem:$0x3FB2];
	_ =	sdelay $0x3  }
0x37: {  	[smem:$0x3FB2] =	sst s10  }
0x38: {  	s10 =	sld [smem:$0x3FB3]  }
0x39: {  	_ = 	snop;
	(pc) =	sbr.ind lr, $3  }
0x3a: {  	_ = 	snop  }
0x3b: {  	_ = 	snop  }
0x3c: {  	p2 =	seq.s32 s10, $0x1;
	s10 =	sld [smem:$0x3FB2]  }
0x3d: {  	_ =	shalt  }
0x3e: {  	_ =	shalt  }
0x3f: {  	_ =	shalt  }
0x40: {  	_ =	shalt  }
0x41: {  	_ =	shalt  }
0x42: {  	_ =	shalt  }
0x43: {  	_ =	shalt  }
0x44: {  	_ =	shalt  }
0x45: {  	_ =	shalt  }
0x46: {  	_ =	shalt  }
0x47: {  	_ =	shalt  }
0x48: {  	_ =	shalt  }
0x49: {  	_ =	shalt  }
0x4a: {  	_ =	shalt  }
0x4b: {  	_ =	shalt  }
0x4c: {  	_ =	shalt  }
0x4d: {  	_ =	shalt  }
0x4e: {  	_ =	shalt  }
0x4f: {  	_ =	shalt  }
0x50: {  	_ =	shalt  }
0x51: {  	_ =	shalt  }
0x52: {  	_ =	shalt  }
0x53: {  	_ =	shalt  }
0x54: {  	_ =	shalt  }
0x55: {  	_ =	shalt  }
0x56: {  	_ =	shalt  }
0x57: {  	_ =	shalt  }
0x58: {  	_ =	shalt  }
0x59: {  	_ =	shalt  }
0x5a: {  	_ =	shalt  }
0x5b: {  	_ =	shalt  }
0x5c: {  	_ =	shalt  }
0x5d: {  	_ =	shalt  }
0x5e: {  	_ =	shalt  }
0x5f: {  	_ =	shalt  }
0x60: {  	_ =	shalt  }
0x61: {  	_ =	shalt  }
0x62: {  	_ =	shalt  }
0x63: {  	_ =	shalt  }
0x64: {  	_ =	shalt  }
0x65: {  	_ =	shalt  }
0x66: {  	_ =	shalt  }
0x67: {  	_ =	shalt  }
0x68: {  	_ =	shalt  }
0x69: {  	_ =	shalt  }
0x6a: {  	_ =	shalt  }
0x6b: {  	_ =	shalt  }
0x6c: {  	_ =	shalt  }
0x6d: {  	_ =	shalt  }
0x6e: {  	_ =	shalt  }
0x6f: {  	_ =	shalt  }
0x70: {  	_ =	shalt  }
0x71: {  	_ =	shalt  }
0x72: {  	_ =	shalt  }
0x73: {  	_ =	shalt  }
0x74: {  	_ =	shalt  }
0x75: {  	_ =	shalt  }
0x76: {  	_ =	shalt  }
0x77: {  	_ =	shalt  }
0x78: {  	_ =	shalt  }
0x79: {  	_ =	shalt  }
0x7a: {  	_ =	shalt  }
0x7b: {  	_ =	shalt  }
0x7c: {  	_ =	shalt  }
0x7d: {  	_ =	shalt  }
0x7e: {  	_ =	shalt  }
0x7f: {  	_ =	shalt  }
0x80: {  	_ =	shalt  }
0x81: {  	_ =	shalt  }
0x82: {  	_ =	shalt  }
0x83: {  	_ =	shalt  }
0x84: {  	_ =	shalt  }
0x85: {  	_ =	shalt  }
0x86: {  	_ =	shalt  }
0x87: {  	_ =	shalt  }
.Lfunc_end0:
.L_simem_size_0:
called_computation.2_lowered:
.L_overlay_start_0:
0x88: {  	s2 =	sld [smem:$0x3FD9]  }
0x89: {  	s3 =	sld [smem:$0x3FFE];
	_ =	sdelay $0x1  }
0x8a: {  	s1 =	srdreg.scid  }
0x8b: {  	s0 =	sand.u32 $0x1, s1  }
0x8c: {  	s16 =	sshll.u32 s0, $0xA;
	s2 =	sadd.s32 s3, s2  }
0x8d: {  	s2 =	sadd.s32 s2, s16  }
0x8e: {  	[smem:$0x3FBE] =	sst s2  }
0x8f: {  	_ = 	snop  }
0x90: {  	(tm) =	ssettm $0x1  }
0x91: {  	s17 =	sld [smem:$0x3FFB];
	_ =	sdelay $0x3  }
0x92: {  	_ =	strace s17  }
0x93: {  	s2 =	sld [smem:$0x3FFC];
	_ =	sdelay $0x3  }
0x94: {  	_ =	strace s2  }
0x95: {  	s2 =	sld [smem:$0x3FFD];
	_ =	sdelay $0x3  }
0x96: {  	_ =	strace s2  }
0x97: {  	_ =	strace $0x8FFFFFFF  }
0x98: {  	s18 =	sld [smem:$0x3FDB];
	_ =	sdelay $0x1  }
0x99: {  	s19 =	simm.s32 $_scs_section_size  }
0x9a: {  	s4 =	simm.s32 $_size__tile_overlayer_lowered;
	s5 =	simm.s32 $_tile_overlayer_lowered  }
0x9b: {  	s22 =	simm.s32 $0x1BFF;
	s21 =	sshll.u32 s5, $0x1;
	s2 =	sadd.s32 s19, s18  }
0x9c: {  	s6 =	simm.s32 $0x0;
	s20 =	sshll.u32 s4, $0x1;
	s4 =	sadd.s32 s21, s2  }
0x9d: {  	[timem:s6], [sflag:s22] =	dma.local [hbm:s4], s20  }
0x9e: {  	_ =	swait.ge [sflag:s22], s20  }
0x9f: {  	s3 =	ssub.s32 $0x0, s20;
	[sflag:s22] =	ssyncset.done $0x0  }
0xa0: {  	[sflag:s22] =	ssyncadd.s32 s3;
	_ =	sdelay $0x1  }
0xa1: {  	s23 =	simm.s32 $0x1B8B  }
0xa2: {  	_ =	swait.ge [sflag:s23], $0x1  }
0xa3: {  	[sflag:s23] =	ssyncset.done $0x0  }
0xa4: {  	s25 =	simm.s32 $0x1B8E;
	s24 =	sld [smem:$0x3FFE];
	[sflag:s23] =	ssyncadd.s32 $0xFFFFFFFF  }
0xa5: {  	s26 =	simm.s32 $execute0_lowered;
	[smem:$0x3FD2] =	sst s25  }
0xa6: {  	s4 =	sshll.u32 s26, $0x1;
	_ =	strace $0x8000004C;
	[dreg:$0x1] =	wrdreg $0xFFFFFFFF  }
0xa7: {  	s28 =	simm.s32 $_size_execute0_lowered;
	s2 =	sadd.s32 s2, s4;
	[dreg:$0x0] =	wrdreg $0x0  }
0xa8: {  	s4 =	sshll.u32 s28, $0x1;
	[dreg:$0x2] =	wrdreg s2  }
0xa9: {  	[dreg:$0x3] =	wrdreg s4  }
0xaa: {  	[dreg:$0x4] =	wrdreg $0xC0  }
0xab: {  	_ =	task [dreg:s6], $0x5FFFF  }
0xac: {  	[dreg:$0x1] =	wrdreg $0xFFFFFFFF  }
0xad: {  	[dreg:$0x0] =	wrdreg $0x60  }
0xae: {  	[dreg:$0x2] =	wrdreg s24  }
0xaf: {  	[dreg:$0x3] =	wrdreg $0xDF000  }
0xb0: {  	[dreg:$0x4] =	wrdreg $0x67000  }
0xb1: {  	[dreg:$0x5] =	wrdreg $0x9  }
0xb2: {  	_ =	task.clear_ibuf [dreg:s6], $0x6FFFF;
	_ =	strace $0x9000004C  }
0xb3: {  	s29 =	simm.s32 $0x9;
	_ =	strace $0x8000004E  }
0xb4: {  	_ =	swait.ge [sflag:s29], $0x1  }
0xb5: {  	[sflag:s29] =	ssyncadd.s32 $0xFFFFFFFF  }
0xb6: {  	_ =	strace $0x9000004E  }
0xb7: {  	_ =	sfence  }
0xb8: {  	s30 =	sld [smem:$0x0];
	_ =	sdelay $0x2  }
0xb9: {  	s31 =	sshll.u32 s1, $0xD;
	s1 =	sshrl.u32 s1, $0x2  }
0xba: {  	s3 =	sand.u32 $0x4000, s31;
	s1 =	sadd.s32 s1, s30  }
0xbb: {  	s0 =	sor.u32 s3, s0;
	s1 =	sshll.u32 s1, $0x11  }
0xbc: {  	s0 =	sor.u32 s1, s0  }
0xbd: {  	s0 =	sadd.s32 $0x8F2B, s0  }
0xbe: {  	[sflag:s0] =	ssyncadd.remote.s32 $0x1  }
0xbf: {  	_ =	sfence.sel $0xFFFF  }
0xc0: {  	[dreg:$0x0] =	wrdreg $0xFFFFFFFF;
	(pc) =	sbr.abs _section_cstart, $3  }
0xc1: {  	[dreg:$0x1] =	wrdreg $0xFFFFFFFF  }
0xc2: {  	_ =	task.clear_ibuf [dreg:s6], $0x2FFFF;
	_ =	strace $0x9FFFFFFF  }
0xc3: {  	(tm) =	ssettm $0x7FFFFFFF  }
tec
execute0_lowered:
.L_overlay_start_1:
0x0: {  	(tag) =	ssettag $0x1  }
0x1: {  	s1 =	srdreg.scid;
	s5 =	rddreg [dreg:$0x0]  }
0x2: {  	s0 =	stileid.u32;
	s2 =	rddreg [dreg:$0x1]  }
0x3: {  	s3 =	rddreg [dreg:$0x2];
	s4 =	simm.s32 $0x0;
	s17 =	simm.s32 $0x80  }
0x4: {  	s18 =	simm.s32 $0x4F00;
	s19 =	simm.s32 $0x1;
	s8 =	smul.u32 $0xBB80, s0  }
0x5: {  	s20 =	simm.s32 $0x0;
	s6 =	sand.u32 $0x1, s1;
	s9 =	smul.u32 $0x7800, s0  }
0x6: {  	s30 =	sshll.u32 s0, $0x1;
	[smem:$0x7FF] =	sst s4;
	s10 =	smul.u32 $0xF00, s0  }
0x7: {  	p0 =	sgt.u32 s0, $0x9;
	s15 =	sshll.u32 s0, $0x6;
	s1 =	sor.u32 s6, s30  }
0x8: {  	s12 =	smul.u32 $0xF000, s6;
	s6 =	ssub.s32 $0x2, s6;
	s15 =	sor.u32 $0x1C02, s15  }
0x9: {  	s7 =	smul.u32 $0x2710, s1;
	s1 =	rddreg [dreg:$0x3];
	_ =	strace $0x8000004D  }
0xa: {  	s11 =	sshrl.u32 s8, $0x3;
	s13 =	sshrl.u32 s9, $0x3;
	s31 =	sshrl.u32 s6, $0x1  }
0xb: {  	s14 =	sadd.s32 s8, s2;
	s16 =	sadd.s32 s9, s3;
	s11 =	sadd.s32 s11, s5  }
0xc: {  	s10 =	sadd.s32 s10, s12;
	s13 =	sadd.s32 s13, s5;
	s12 =	ssub.s32 s6, s31  }
0xd: {  	s14 =	sshrl.u32 @!p0 s14, $0x3;
	s16 =	sshrl.u32 s16, $0x3;
	s7 =	sshrl.u32 s7, $0x3  }
0xe: {  	s10 =	sadd.s32 s10, s5;
	s8 =	sadd.s32 $0x24A00, s13;
	s13 =	sshll.u32 @!p0 s0, $0x6  }
0xf: {  	s7 =	sadd.s32 s7, s5;
	s9 =	sadd.s32 $0x33A00, s10;
	s10 =	smax.u32 s12, $0x1  }
0x10: {  	s12 =	simm.s32 $0x2;
	s13 =	sor.u32 @!p0 $0x1C02, s13;
	s5 =	sadd.s32 $0xC040, s7  }
0x11: {  	v0 =	vimm.s32 $0x2710;
	v1 =	vimm.s32 $0x0;
	s6 =	sadd.s32 $0x2400, s7;
	s7 =	sadd.s32 $0x15E00, s11;
	s11 =	simm.s32 $0x2780  }
.LBB2_1:
0x12: {  	[tilespmem:s11], [sflag:$0x2] =	stream.linear.gather [hbm4b:s5+s4], $0x2710, $0x38;
	[tilespmem:$0x15430] =	vst v63  }
0x13: {  	_ =	swait.ge [sflag:s12], $0x2710  }
0x14: {  	[sflag:s12] =	ssyncset.done $0x0  }
0x15: {  	[sflag:s12] =	ssyncadd.s32 $0xFFFFD8F0  }
0x16: {  	[tilespmem:$0x4E90] =	vst v0  }
0x17: {  	[tilespmem:$0x4EA0] =	vst v0  }
0x18: {  	[tilespmem:$0x4EB0] =	vst v0  }
0x19: {  	[tilespmem:$0x4EC0] =	vst v0  }
0x1a: {  	[tilespmem:$0x4ED0] =	vst v0  }
0x1b: {  	[tilespmem:$0x4EE0] =	vst v0  }
0x1c: {  	[tilespmem:$0x4EF0] =	vst v0  }
0x1d: {  	[tilespmem:s4], [sflag:$0x2] =	stream.linear.gather [hbm4b:s6+s4], $0x2710, $0x38;
	[tilespmem:$0x15430] =	vst v63  }
0x1e: {  	_ =	swait.ge [sflag:s12], $0x2710  }
0x1f: {  	[sflag:s12] =	ssyncset.done $0x0  }
0x20: {  	[sflag:s12] =	ssyncadd.s32 $0xFFFFD8F0  }
0x21: {  	[tilespmem:$0x2710] =	vst v1  }
0x22: {  	[tilespmem:$0x2720] =	vst v1  }
0x23: {  	[tilespmem:$0x2730] =	vst v1  }
0x24: {  	[tilespmem:$0x2740] =	vst v1  }
0x25: {  	[tilespmem:$0x2750] =	vst v1  }
0x26: {  	[tilespmem:$0x2760] =	vst v1  }
0x27: {  	s21 =	simm.s32 @!p0 $0x2;
	[tilespmem:$0x2770] =	vst v1  }
0x28: {  	[spmem:s14], [sflag:s13] =	dma.local @!p0 [hbm:s7], $0x1770  }
0x29: {  	_ =	swait.ge @!p0 [sflag:s21], $0x1770  }
0x2a: {  	[sflag:s21] =	ssyncset.done @!p0 $0x0  }
0x2b: {  	[sflag:s21] =	ssyncadd.s32 @!p0 $0xFFFFE890  }
0x2c: {  	[spmem:s16], [sflag:s15] =	dma.local [hbm:s8], $0xF00  }
0x2d: {  	_ =	swait.ge [sflag:s12], $0xF00  }
0x2e: {  	[sflag:s12] =	ssyncset.done $0x0  }
0x2f: {  	[sflag:s12] =	ssyncadd.s32 $0xFFFFF100  }
0x30: {  	s30 =	simm.s32 $0x0;
	[bflag:$0x0] =	sbarrier.arrive $0xFFFF  }
0x31: {  	[tilespmem:s18], [sflag:$0x1] =	stream.indirect.gather [spmem:s2], $0x30, s30, s17, $0xb8;
	[tilespmem:$0x15430] =	vst v63  }
0x32: {  	_ =	swait.ge [sflag:s19], $0x1800  }
0x33: {  	[sflag:s19] =	ssyncset.done $0x0  }
0x34: {  	s31 =	simm.s32 $0x2780;
	[sflag:s19] =	ssyncadd.s32 $0xFFFFE800  }
0x35: {  	[spmem:s3] =	stream.indirect.scatter.add.f32 [tilespmem:s18], [sflag:$0x2], $0x30, s31, s17, $0xb8;
	[tilespmem:$0x15430] =	vst v63  }
0x36: {  	_ =	swait.ge [sflag:s12], $0x1800  }
0x37: {  	s22 =	simm.s32 $0x400;
	s21 =	simm.s32 $0x200;
	[sflag:s12] =	ssyncset.done $0x0  }
.LBB2_2:
0x38: {  	s23 =	sshra.s32 s21, $0x2  }
0x39: {  	[sflag:s12] =	ssyncadd.s32 $0xFFFFE800;
	s21 =	smov.u32 s22;
	s24 =	sadd.s32 $0x200, s22  }
0x3a: {  	[tilespmem:s18], [sflag:$0x1] =	stream.indirect.gather [spmem:s2], $0x30, s23, s17, $0xb8;
	[tilespmem:$0x15430] =	vst v63  }
0x3b: {  	p1 =	sne.s32 s22, $0x9C00;
	_ =	swait.ge [sflag:s19], $0x1800  }
.Ltmp0:
0x3c: {  	[sflag:s19] =	ssyncset.done $0x0;
	(pc) =	sbr.rel @p1 .LBB2_2-.Ltmp0, $4  }
0x3d: {  	s22 =	sadd.s32 $0x2780, s23;
	[sflag:s19] =	ssyncadd.s32 $0xFFFFE800  }
0x3e: {  	[spmem:s3] =	stream.indirect.scatter.add.f32 [tilespmem:s18], [sflag:$0x2], $0x30, s22, s17, $0xb8;
	[tilespmem:$0x15430] =	vst v63  }
0x3f: {  	_ =	swait.ge [sflag:s12], $0x1800  }
0x40: {  	s22 =	smov.u32 s24;
	[sflag:s12] =	ssyncset.done $0x0  }
0x41: {  	s21 =	sshra.s32 s21, $0x2;
	[sflag:s12] =	ssyncadd.s32 $0xFFFFE800  }
0x42: {  	[tilespmem:s18], [sflag:$0x1] =	stream.indirect.gather [spmem:s2], $0x30, s21, s17, $0xb8;
	[tilespmem:$0x15430] =	vst v63  }
0x43: {  	_ =	swait.ge [sflag:s19], $0x1800  }
0x44: {  	[sflag:s19] =	ssyncset.done $0x0  }
0x45: {  	s21 =	sadd.s32 $0x2780, s21;
	[sflag:s19] =	ssyncadd.s32 $0xFFFFE800  }
0x46: {  	[spmem:s3] =	stream.indirect.scatter.add.f32 [tilespmem:s18], [sflag:$0x2], $0x30, s21, s17, $0xb8;
	[tilespmem:$0x15430] =	vst v63  }
0x47: {  	_ =	swait.ge [sflag:s12], $0x1800  }
0x48: {  	s20 =	sadd.s32 $0x1, s20;
	[sflag:s12] =	ssyncset.done $0x0  }
0x49: {  	p1 =	sne.s32 s20, s10;
	[sflag:s12] =	ssyncadd.s32 $0xFFFFE800  }
.Ltmp1:
0x4a: {  	[bflag:$0x0] =	sbarrier.arrive $0xFFFF;
	(pc) =	sbr.rel @p1 .LBB2_1-.Ltmp1, $4  }
0x4b: {  	[hbm:s9], [sflag:s15] =	dma.local [spmem:s16], $0xF00  }
0x4c: {  	_ =	swait.ge [sflag:s12], $0xF00  }
0x4d: {  	[sflag:s12] =	ssyncset.done $0x0  }
0x4e: {  	[sflag:s12] =	ssyncadd.s32 $0xFFFFF100  }
0x4f: {  	_ =	sfence.sel $0x180000  }
0x50: {  	[bflag:$0x0] =	sbarrier.arrive $0xFFFF  }
0x51: {  	p0 =	sne.s32 s0, $0x0;
	_ =	strace $0x9000004D  }
0x52: {  	s0 =	sadd.s32 @!p0 $0x100000, s1;
	[bflag:$0x2] =	sbarrier.arrive $0xFFFF  }
0x53: {  	[sflag:s0] =	ssyncadd.tile.s32 @!p0 $0x1;
	_ =	shalt  }
.Lfunc_end2:
_tile_overlayer_lowered:
.L_overlay_start_2:
0x54: {  	(tag) =	ssettag $0x2  }
0x55: {  	s0 =	rddreg [dreg:$0x0];
	s2 =	stileid.u32  }
0x56: {  	s1 =	rddreg [dreg:$0x1];
	p0 =	sne.s32 s2, $0x0  }
0x57: {  	s3 =	rddreg [dreg:$0x2];
	[bflag:$0x3] =	sbarrier.arrive $0xFFFF;
	s2 =	simm.s32 @!p0 $0x1C02  }
0x58: {  	[timem:s3], [sflag:s2] =	dma.local @!p0 [hbm:s0], s1  }
0x59: {  	s0 =	simm.s32 @!p0 $0x2  }
0x5a: {  	_ =	swait.ge @!p0 [sflag:s0], s1  }
0x5b: {  	s1 =	ssub.s32 @!p0 $0x0, s1;
	[sflag:s0] =	ssyncset.done @!p0 $0x0  }
0x5c: {  	[sflag:s0] =	ssyncadd.s32 @!p0 s1  }
0x5d: {  	[bflag:$0x3] =	sbarrier.arrive $0xFFFF  }
0x5e: {  	_ =	shalt  }

// kernel: kernel.9.cloned.1.call-start
scs
__scs_entry_jumppad:
0x0: {  	(pc) =	sbr.rel $0x88, $3  }
0x1: {  	(tag) =	ssettag $0x0;
	lr =	simm.s32 $0x1  }
0x2: {  	[smem:$0x3F97] =	sst lr;
	_ =	strace $0xD0000000  }
0x3: {  	_ = 	snop  }
0x4: {  	_ = 	snop  }
0x5: {  	_ = 	snop  }
0x6: {  	_ = 	snop  }
0x7: {  	_ = 	snop  }
__scs_overlays_trampoline_lowered:
0x8: {  	[smem:$0x3FA6] =	sst s0  }
0x9: {  	[smem:$0x3FA7] =	sst s1  }
0xa: {  	[smem:$0x3FA8] =	sst s2  }
0xb: {  	[smem:$0x3FA9] =	sst s3  }
0xc: {  	[smem:$0x3FAA] =	sst s4  }
0xd: {  	[smem:$0x3FAB] =	sst s5  }
0xe: {  	[smem:$0x3FAC] =	sst s6  }
0xf: {  	[smem:$0x3FAD] =	sst s7  }
0x10: {  	[smem:$0x3FAE] =	sst s8  }
0x11: {  	[smem:$0x3FAF] =	sst s9;
	s0 =	simm.s32 @!p0 $0x0  }
0x12: {  	s1 =	sld [smem:$0x3F95];
	s0 =	simm.s32 @p0 $0x1  }
0x13: {  	[smem:$0x3FB0] =	sst s0;
	s0 =	simm.s32 @!p1 $0x0  }
0x14: {  	s2 =	sld [smem:$0x3F94];
	s0 =	simm.s32 @p1 $0x1  }
0x15: {  	[smem:$0x3FB1] =	sst s0;
	s0 =	simm.s32 @!p2 $0x0  }
0x16: {  	s3 =	sld [smem:$0x3FDB];
	s0 =	simm.s32 @p2 $0x1  }
0x17: {  	s4 =	simm.s32 $0x1BF5;
	[smem:$0x3FB3] =	sst s0  }
0x18: {  	s0 =	sld [smem:$0x3F96];
	_ =	swait.ge [sflag:s4], $0x0  }
0x19: {  	s7 =	sld [smem:$0x3F97]  }
0x1a: {  	s8 =	sadd.s32 $0xFFFFE003, lr  }
0x1b: {  	s9 =	sadd.s32 $0xFFFFFEF7, lr;
	s5 =	simm.s32 $0xFFFFFFFF;
	p2 =	slt.u32 s8, $0xFFFFF086  }
0x1c: {  	p1 =	slt.u32 s9, $0xF7A;
	s5 =	simm.s32 @!p2 $0x0  }
0x1d: {  	s5 =	simm.s32 @p1 $0x1;
	p0 =	seq.s32 s7, s2  }
0x1e: {  	s7 =	smul.u32 @!p0 $0xF7A, s2;
	p2 =	seq.s32 @!p0 s5, $0x0  }
0x1f: {  	s9 =	smul.u32 $0xF7A, s1;
	s8 =	simm.s32 @!p0 $0x1BF5;
	p2 =	por !p2, p0  }
0x20: {  	[sflag:s8] =	ssyncset.s32 @!p0 $0xFFFFF086;
	s6 =	sadd.s32 @!p0 s3, s7;
	s7 =	simm.s32 @!p0 $0x108  }
0x21: {  	s3 =	sadd.s32 s3, s9;
	s6 =	sadd.s32 @!p0 $0x88, s6;
	s7 =	simm.s32 @p2 $0x1082  }
0x22: {  	[simem:s7], [sflag:s8] =	dma.local @!p0 [hbm:s6], $0xF7A  }
0x23: {  	s9 =	sor.u32 $0xD0000000, s2;
	s6 =	simm.s32 $0x108;
	_ =	swait.ge @!p0 [sflag:s8], $0x0  }
0x24: {  	s3 =	sadd.s32 $0x88, s3;
	s6 =	simm.s32 @!p1 $0x1082;
	[sflag:s4] =	ssyncset.s32 $0xFFFFF086  }
0x25: {  	[simem:s6], [sflag:s4] =	dma.local [hbm:s3], $0xF7A  }
0x26: {  	[smem:$0x3F97] =	sst s1;
	(tag) =	ssettag s2;
	_ =	strace s9  }
0x27: {  	s1 =	sld [smem:$0x3FA7]  }
0x28: {  	s2 =	sld [smem:$0x3FA8]  }
0x29: {  	s4 =	sld [smem:$0x3FAA]  }
0x2a: {  	p0 =	seq.s32 s5, $0x0;
	s5 =	sld [smem:$0x3FAB]  }
0x2b: {  	s6 =	sld [smem:$0x3FAC]  }
0x2c: {  	s7 =	sld [smem:$0x3FAD]  }
0x2d: {  	s3 =	simm.s32 $0x108;
	s8 =	sld [smem:$0x3FAE]  }
0x2e: {  	s3 =	simm.s32 @!p0 $0x1082;
	s9 =	sld [smem:$0x3FAF]  }
0x2f: {  	lr =	sadd.s32 s0, s3;
	s0 =	sld [smem:$0x3FA6]  }
0x30: {  	s3 =	sld [smem:$0x3FA9]  }
0x31: {  	[smem:$0x3FB2] =	sst s10  }
0x32: {  	s10 =	sld [smem:$0x3FB0];
	_ =	sdelay $0x3  }
0x33: {  	p0 =	seq.s32 s10, $0x1;
	s10 =	sld [smem:$0x3FB2];
	_ =	sdelay $0x3  }
0x34: {  	[smem:$0x3FB2] =	sst s10  }
0x35: {  	s10 =	sld [smem:$0x3FB1];
	_ =	sdelay $0x3  }
0x36: {  	p1 =	seq.s32 s10, $0x1;
	s10 =	sld [smem:$0x3FB2];
	_ =	sdelay $0x3  }
0x37: {  	[smem:$0x3FB2] =	sst s10  }
0x38: {  	s10 =	sld [smem:$0x3FB3]  }
0x39: {  	_ = 	snop;
	(pc) =	sbr.ind lr, $3  }
0x3a: {  	_ = 	snop  }
0x3b: {  	_ = 	snop  }
0x3c: {  	p2 =	seq.s32 s10, $0x1;
	s10 =	sld [smem:$0x3FB2]  }
0x3d: {  	_ =	shalt  }
0x3e: {  	_ =	shalt  }
0x3f: {  	_ =	shalt  }
0x40: {  	_ =	shalt  }
0x41: {  	_ =	shalt  }
0x42: {  	_ =	shalt  }
0x43: {  	_ =	shalt  }
0x44: {  	_ =	shalt  }
0x45: {  	_ =	shalt  }
0x46: {  	_ =	shalt  }
0x47: {  	_ =	shalt  }
0x48: {  	_ =	shalt  }
0x49: {  	_ =	shalt  }
0x4a: {  	_ =	shalt  }
0x4b: {  	_ =	shalt  }
0x4c: {  	_ =	shalt  }
0x4d: {  	_ =	shalt  }
0x4e: {  	_ =	shalt  }
0x4f: {  	_ =	shalt  }
0x50: {  	_ =	shalt  }
0x51: {  	_ =	shalt  }
0x52: {  	_ =	shalt  }
0x53: {  	_ =	shalt  }
0x54: {  	_ =	shalt  }
0x55: {  	_ =	shalt  }
0x56: {  	_ =	shalt  }
0x57: {  	_ =	shalt  }
0x58: {  	_ =	shalt  }
0x59: {  	_ =	shalt  }
0x5a: {  	_ =	shalt  }
0x5b: {  	_ =	shalt  }
0x5c: {  	_ =	shalt  }
0x5d: {  	_ =	shalt  }
0x5e: {  	_ =	shalt  }
0x5f: {  	_ =	shalt  }
0x60: {  	_ =	shalt  }
0x61: {  	_ =	shalt  }
0x62: {  	_ =	shalt  }
0x63: {  	_ =	shalt  }
0x64: {  	_ =	shalt  }
0x65: {  	_ =	shalt  }
0x66: {  	_ =	shalt  }
0x67: {  	_ =	shalt  }
0x68: {  	_ =	shalt  }
0x69: {  	_ =	shalt  }
0x6a: {  	_ =	shalt  }
0x6b: {  	_ =	shalt  }
0x6c: {  	_ =	shalt  }
0x6d: {  	_ =	shalt  }
0x6e: {  	_ =	shalt  }
0x6f: {  	_ =	shalt  }
0x70: {  	_ =	shalt  }
0x71: {  	_ =	shalt  }
0x72: {  	_ =	shalt  }
0x73: {  	_ =	shalt  }
0x74: {  	_ =	shalt  }
0x75: {  	_ =	shalt  }
0x76: {  	_ =	shalt  }
0x77: {  	_ =	shalt  }
0x78: {  	_ =	shalt  }
0x79: {  	_ =	shalt  }
0x7a: {  	_ =	shalt  }
0x7b: {  	_ =	shalt  }
0x7c: {  	_ =	shalt  }
0x7d: {  	_ =	shalt  }
0x7e: {  	_ =	shalt  }
0x7f: {  	_ =	shalt  }
0x80: {  	_ =	shalt  }
0x81: {  	_ =	shalt  }
0x82: {  	_ =	shalt  }
0x83: {  	_ =	shalt  }
0x84: {  	_ =	shalt  }
0x85: {  	_ =	shalt  }
0x86: {  	_ =	shalt  }
0x87: {  	_ =	shalt  }
.Lfunc_end0:
.L_simem_size_0:
called_computation_lowered:
.L_overlay_start_0:
0x88: {  	s2 =	sld [smem:$0x3FD9]  }
0x89: {  	s3 =	sld [smem:$0x3FFE];
	_ =	sdelay $0x1  }
0x8a: {  	s1 =	srdreg.scid  }
0x8b: {  	s0 =	sand.u32 $0x1, s1  }
0x8c: {  	s17 =	sshll.u32 s0, $0xA;
	s2 =	sadd.s32 s3, s2  }
0x8d: {  	s2 =	sadd.s32 s2, s17  }
0x8e: {  	[smem:$0x3FBE] =	sst s2  }
0x8f: {  	_ = 	snop  }
0x90: {  	s2 =	sld [smem:$0x3FD0];
	(tm) =	ssettm $0x1  }
0x91: {  	s18 =	sld [smem:$0x3FFB];
	_ =	sdelay $0x3  }
0x92: {  	_ =	strace s18  }
0x93: {  	s3 =	sld [smem:$0x3FFC];
	_ =	sdelay $0x3  }
0x94: {  	_ =	strace s3  }
0x95: {  	s3 =	sld [smem:$0x3FFD];
	_ =	sdelay $0x3  }
0x96: {  	_ =	strace s3  }
0x97: {  	_ =	strace $0x8FFFFFFF  }
0x98: {  	s19 =	sld [smem:$0x3FDB];
	_ =	sdelay $0x1  }
0x99: {  	s4 =	simm.s32 $_scs_section_size  }
0x9a: {  	s5 =	simm.s32 $_size__tile_overlayer_lowered;
	s6 =	simm.s32 $_tile_overlayer_lowered  }
0x9b: {  	s22 =	simm.s32 $0x1BFF;
	s21 =	sshll.u32 s6, $0x1;
	s3 =	sadd.s32 s4, s19  }
0x9c: {  	s7 =	simm.s32 $0x0;
	s20 =	sshll.u32 s5, $0x1;
	s5 =	sadd.s32 s21, s3  }
0x9d: {  	[timem:s7], [sflag:s22] =	dma.local [hbm:s5], s20  }
0x9e: {  	_ =	swait.ge [sflag:s22], s20  }
0x9f: {  	s4 =	ssub.s32 $0x0, s20;
	[sflag:s22] =	ssyncset.done $0x0  }
0xa0: {  	[sflag:s22] =	ssyncadd.s32 s4;
	_ =	sdelay $0x1  }
0xa1: {  	s23 =	simm.s32 $0x1B8B  }
0xa2: {  	_ =	swait.ge [sflag:s23], $0x1  }
0xa3: {  	[sflag:s23] =	ssyncset.done $0x0  }
0xa4: {  	s25 =	simm.s32 $0x1B8E;
	s24 =	sld [smem:$0x3FFE];
	[sflag:s23] =	ssyncadd.s32 $0xFFFFFFFF  }
0xa5: {  	s26 =	simm.s32 $execute0_lowered;
	[smem:$0x3FD2] =	sst s25  }
0xa6: {  	s5 =	sshll.u32 s26, $0x1;
	_ =	strace $0x80000046;
	[dreg:$0x1] =	wrdreg $0xFFFFFFFF  }
0xa7: {  	s28 =	simm.s32 $_size_execute0_lowered;
	s3 =	sadd.s32 s3, s5;
	[dreg:$0x0] =	wrdreg $0x0  }
0xa8: {  	s5 =	sshll.u32 s28, $0x1;
	[dreg:$0x2] =	wrdreg s3  }
0xa9: {  	[dreg:$0x3] =	wrdreg s5  }
0xaa: {  	[dreg:$0x4] =	wrdreg $0xC0  }
0xab: {  	_ =	task [dreg:s7], $0x5FFFF  }
0xac: {  	[dreg:$0x1] =	wrdreg $0xFFFFFFFF  }
0xad: {  	[dreg:$0x0] =	wrdreg $0x60  }
0xae: {  	[dreg:$0x2] =	wrdreg s24  }
0xaf: {  	[dreg:$0x3] =	wrdreg s2  }
0xb0: {  	[dreg:$0x4] =	wrdreg $0x2F800  }
0xb1: {  	[dreg:$0x5] =	wrdreg $0x9  }
0xb2: {  	_ =	task.clear_ibuf [dreg:s7], $0x6FFFF;
	_ =	strace $0x90000046  }
0xb3: {  	s29 =	simm.s32 $0x9;
	_ =	strace $0x80000048  }
0xb4: {  	_ =	swait.ge [sflag:s29], $0x1  }
0xb5: {  	[sflag:s29] =	ssyncadd.s32 $0xFFFFFFFF  }
0xb6: {  	_ =	strace $0x90000048  }
0xb7: {  	_ =	sfence  }
0xb8: {  	s30 =	sld [smem:$0x0];
	_ =	sdelay $0x2  }
0xb9: {  	s31 =	sshll.u32 s1, $0xD;
	s1 =	sshrl.u32 s1, $0x2  }
0xba: {  	s3 =	sand.u32 $0x4000, s31;
	s1 =	sadd.s32 s1, s30  }
0xbb: {  	s0 =	sor.u32 s3, s0;
	s1 =	sshll.u32 s1, $0x11  }
0xbc: {  	s0 =	sor.u32 s1, s0  }
0xbd: {  	s0 =	sadd.s32 $0x8F2B, s0  }
0xbe: {  	[sflag:s0] =	ssyncadd.remote.s32 $0x1  }
0xbf: {  	_ =	sfence.sel $0xFFFF  }
0xc0: {  	[dreg:$0x0] =	wrdreg $0xFFFFFFFF;
	(pc) =	sbr.abs _section_cstart, $3  }
0xc1: {  	[dreg:$0x1] =	wrdreg $0xFFFFFFFF  }
0xc2: {  	_ =	task.clear_ibuf [dreg:s7], $0x2FFFF;
	_ =	strace $0x9FFFFFFF  }
0xc3: {  	(tm) =	ssettm $0x7FFFFFFF  }
tec
execute0_lowered:
.L_overlay_start_1:
0x0: {  	(tag) =	ssettag $0x1  }
0x1: {  	s5 =	rddreg [dreg:$0x0]  }
0x2: {  	s7 =	rddreg [dreg:$0x1]  }
0x3: {  	s2 =	rddreg [dreg:$0x2];
	s3 =	srdreg.scid  }
0x4: {  	s1 =	stileid.u32;
	s0 =	rddreg [dreg:$0x3];
	s6 =	sand.u32 $0x1, s3  }
0x5: {  	s4 =	sshll.u32 s1, $0x1;
	s3 =	simm.s32 $0x0;
	s8 =	smul.u32 $0x2800, s1  }
0x6: {  	s12 =	smul.u32 $0x500, s1;
	s31 =	sshll.u32 s1, $0x6;
	s4 =	sor.u32 s6, s4  }
0x7: {  	[smem:$0x7FF] =	sst s3;
	s11 =	ssub.s32 $0x2, s6;
	s14 =	smul.u32 $0x5000, s6  }
0x8: {  	s9 =	smul.u32 $0x2710, s4;
	_ =	strace $0x80000047;
	s4 =	sadd.s32 $0x1AE00, s5  }
0x9: {  	s10 =	sshrl.u32 s8, $0x3;
	s13 =	sshrl.u32 s11, $0x1;
	s29 =	sadd.s32 s8, s2  }
0xa: {  	s26 =	sadd.s32 s10, s5;
	s28 =	ssub.s32 s11, s13;
	s30 =	sadd.s32 s12, s14  }
0xb: {  	s10 =	simm.s32 $0x2780;
	s11 =	sor.u32 $0x1C01, s31;
	s12 =	sshrl.u32 s29, $0x3  }
0xc: {  	s13 =	simm.s32 $0x80;
	s14 =	simm.s32 $0x0;
	s9 =	sshrl.u32 s9, $0x3  }
0xd: {  	s6 =	sadd.s32 $0x15E00, s26;
	s7 =	sadd.s32 s7, s30;
	s9 =	sadd.s32 s5, s9  }
0xe: {  	v0 =	vimm.s32 $0x2710;
	s8 =	smax.u32 s28, $0x1;
	s5 =	sadd.s32 $0xC040, s9;
	s9 =	simm.s32 $0x1  }
.LBB2_1:
0xf: {  	[tilespmem:s3], [sflag:$0x1] =	stream.linear.gather [hbm4b:s5+s3], $0x2710, $0x38;
	[tilespmem:$0x5780] =	vst v63  }
0x10: {  	_ =	swait.ge [sflag:s9], $0x2710  }
0x11: {  	[sflag:s9] =	ssyncset.done $0x0  }
0x12: {  	[sflag:s9] =	ssyncadd.s32 $0xFFFFD8F0  }
0x13: {  	[tilespmem:$0x2710] =	vst v0  }
0x14: {  	[tilespmem:$0x2720] =	vst v0  }
0x15: {  	[tilespmem:$0x2730] =	vst v0  }
0x16: {  	[tilespmem:$0x2740] =	vst v0  }
0x17: {  	[tilespmem:$0x2750] =	vst v0  }
0x18: {  	[tilespmem:$0x2760] =	vst v0  }
0x19: {  	[tilespmem:$0x2770] =	vst v0  }
0x1a: {  	[tilespmem:s10], [sflag:$0x1] =	stream.linear.gather [hbm4b:s4+s3], $0x800, $0x38;
	[tilespmem:$0x5780] =	vst v63  }
0x1b: {  	_ =	swait.ge [sflag:s9], $0x800  }
0x1c: {  	[sflag:s9] =	ssyncset.done $0x0  }
0x1d: {  	[sflag:s9] =	ssyncadd.s32 $0xFFFFF800  }
0x1e: {  	[spmem:s12], [sflag:s11] =	dma.local [hbm:s6], $0x500  }
0x1f: {  	_ =	swait.ge [sflag:s9], $0x500  }
0x20: {  	[sflag:s9] =	ssyncset.done $0x0  }
0x21: {  	[sflag:s9] =	ssyncadd.s32 $0xFFFFFB00  }
0x22: {  	s15 =	simm.s32 $0x0;
	[bflag:$0x0] =	sbarrier.arrive $0xFFFF  }
0x23: {  	[spmem:s2] =	stream.indirect.scatter.add.f32 [tilespmem:s10], [sflag:$0x1], $0x10, s15, s13, $0xb8;
	[tilespmem:$0x5780] =	vst v63  }
0x24: {  	_ =	swait.ge [sflag:s9], $0x800  }
0x25: {  	s15 =	simm.s32 $0x200;
	[sflag:s9] =	ssyncset.done $0x0  }
.LBB2_2:
0x26: {  	s16 =	sshra.s32 s15, $0x2;
	[sflag:s9] =	ssyncadd.s32 $0xFFFFF800;
	p0 =	sne.s32 s15, $0x9C00  }
0x27: {  	[spmem:s2] =	stream.indirect.scatter.add.f32 [tilespmem:s10], [sflag:$0x1], $0x10, s16, s13, $0xb8;
	[tilespmem:$0x5780] =	vst v63  }
.Ltmp0:
0x28: {  	_ = 	snop;
	(pc) =	sbr.rel @p0 .LBB2_2-.Ltmp0, $4  }
0x29: {  	_ = 	snop  }
0x2a: {  	s15 =	sadd.s32 $0x200, s15  }
0x2b: {  	_ =	swait.ge [sflag:s9], $0x800  }
0x2c: {  	[sflag:s9] =	ssyncset.done $0x0  }
0x2d: {  	s14 =	sadd.s32 $0x1, s14  }
0x2e: {  	[sflag:s9] =	ssyncadd.s32 $0xFFFFF800;
	p0 =	sne.s32 s14, s8  }
.Ltmp1:
0x2f: {  	[bflag:$0x0] =	sbarrier.arrive $0xFFFF;
	(pc) =	sbr.rel @p0 .LBB2_1-.Ltmp1, $4  }
0x30: {  	[hbm:s7], [sflag:s11] =	dma.local [spmem:s12], $0x500  }
0x31: {  	_ =	swait.ge [sflag:s9], $0x500  }
0x32: {  	[sflag:s9] =	ssyncset.done $0x0  }
0x33: {  	[sflag:s9] =	ssyncadd.s32 $0xFFFFFB00  }
0x34: {  	_ =	sfence.sel $0x180000  }
0x35: {  	[bflag:$0x0] =	sbarrier.arrive $0xFFFF  }
0x36: {  	p0 =	sne.s32 s1, $0x0;
	_ =	strace $0x90000047  }
0x37: {  	s0 =	sadd.s32 @!p0 $0x100000, s0;
	[bflag:$0x2] =	sbarrier.arrive $0xFFFF  }
0x38: {  	[sflag:s0] =	ssyncadd.tile.s32 @!p0 $0x1;
	_ =	shalt  }
.Lfunc_end2:
_tile_overlayer_lowered:
.L_overlay_start_2:
0x39: {  	(tag) =	ssettag $0x2  }
0x3a: {  	s0 =	rddreg [dreg:$0x0];
	s2 =	stileid.u32  }
0x3b: {  	s1 =	rddreg [dreg:$0x1];
	p0 =	sne.s32 s2, $0x0  }
0x3c: {  	s3 =	rddreg [dreg:$0x2];
	[bflag:$0x3] =	sbarrier.arrive $0xFFFF;
	s2 =	simm.s32 @!p0 $0x1C01  }
0x3d: {  	[timem:s3], [sflag:s2] =	dma.local @!p0 [hbm:s0], s1  }
0x3e: {  	s0 =	simm.s32 @!p0 $0x1  }
0x3f: {  	_ =	swait.ge @!p0 [sflag:s0], s1  }
0x40: {  	s1 =	ssub.s32 @!p0 $0x0, s1;
	[sflag:s0] =	ssyncset.done @!p0 $0x0  }
0x41: {  	[sflag:s0] =	ssyncadd.s32 @!p0 s1  }
0x42: {  	[bflag:$0x3] =	sbarrier.arrive $0xFFFF  }
0x43: {  	_ =	shalt  }

</sc_bundles>
